<compile_context>
chip_gen: v7x
topology: tpu7x:2x2x1
jax: 0.10.2.dev20260603
libtpu: 0.0.44.dev20260713+nightly
codegen_flags: <defaults>
</compile_context>

<pallas_src>
import functools

import jax
import jax.numpy as jnp
from jax import lax
from jax.experimental import pallas as pl
from jax.experimental.pallas import tpu as pltpu
from jax.experimental.pallas import tpu_sc as plsc

_K = 16
_D = 128
_NT_KNN = 80
_NT = 200


_W = 512


def _knn_body(
    sb0_ref, ns_ref, rx, ry, rz, rb, cxw, cyw, czw, cbw, rp_ref, cpw_ref,
    out_ref, *, nsub,
):
    t = pl.program_id(0)
    rxv, ryv, rzv = rx[...], ry[...], rz[...]
    rsq = rxv * rxv + ryv * ryv + rzv * rzv
    rbv = rb[...]
    rp = rp_ref[...]
    rowid = t * _NT_KNN + lax.broadcasted_iota(jnp.int32, (_NT_KNN, 1), 0)
    wcol = lax.broadcasted_iota(jnp.int32, (1, _W), 1)
    s0 = sb0_ref[t]

    def window(s, carry):
        vals, ids = carry
        w = s0 + s
        cx = cxw[pl.ds(w, 1), :]
        cy = cyw[pl.ds(w, 1), :]
        cz = czw[pl.ds(w, 1), :]
        cb = cbw[pl.ds(w, 1), :]
        cp = cpw_ref[pl.ds(w, 1), :, :].reshape(8, _W)
        csq = cx * cx + cy * cy + cz * cz
        dot = jnp.dot(rp, cp, preferred_element_type=jnp.float32)
        d2 = rsq + csq - 2.0 * dot
        colid = w * _W + wcol
        valid = (rbv == cb) & (rowid != colid)
        d2 = jnp.where(valid, d2, jnp.float32(1e10))
        catv = jnp.concatenate([vals, d2], axis=1)
        cati = jnp.concatenate(
            [ids, jnp.broadcast_to(colid, (_NT_KNN, _W))], axis=1
        )
        nv, ni = [], []
        for _ in range(_K):
            m = jnp.min(catv, axis=1, keepdims=True)
            sel = jnp.min(
                jnp.where(catv == m, cati, jnp.int32(2**30)),
                axis=1,
                keepdims=True,
            )
            nv.append(m)
            ni.append(sel)
            catv = jnp.where(cati == sel, jnp.float32(2e10), catv)
        return jnp.concatenate(nv, axis=1), jnp.concatenate(ni, axis=1)

    vals0 = jnp.full((_NT_KNN, _K), 1e10, jnp.float32)
    ids0 = lax.broadcasted_iota(jnp.int32, (_NT_KNN, _K), 1)
    _, ids = lax.fori_loop(0, ns_ref[t], window, (vals0, ids0))
    out_ref[...] = ids


def _knn(pos, batch_i32):
    n = pos.shape[0]
    ncols = ((n + _W - 1) // _W) * _W
    nsub = ncols // _W
    ntiles = n // _NT_KNN
    pad = ncols - n
    posc = jnp.concatenate([pos, jnp.zeros((pad, 3), jnp.float32)], axis=0)
    bc = jnp.concatenate([batch_i32, jnp.full((pad,), -1, jnp.int32)], axis=0)
    pos8 = jnp.concatenate([pos, jnp.zeros((n, 5), jnp.float32)], axis=1)
    cpw = (
        jnp.concatenate([posc, jnp.zeros((ncols, 5), jnp.float32)], axis=1)
        .T.reshape(8, nsub, _W)
        .transpose(1, 0, 2)
    )
    tr = jnp.arange(ntiles)
    b_lo = batch_i32[tr * _NT_KNN]
    b_hi = batch_i32[tr * _NT_KNN + _NT_KNN - 1]
    col_start = jnp.searchsorted(batch_i32, b_lo, side="left").astype(jnp.int32)
    col_end = jnp.searchsorted(batch_i32, b_hi, side="right").astype(jnp.int32)
    sb0 = col_start // _W
    ns = jnp.maximum((col_end + _W - 1) // _W - sb0, 1)
    row_spec = pl.BlockSpec((_NT_KNN, 1), lambda t: (t, 0))
    win_spec = pl.BlockSpec((nsub, _W), lambda t: (0, 0))
    smem_spec = pl.BlockSpec(memory_space=pltpu.SMEM)
    return pl.pallas_call(
        functools.partial(_knn_body, nsub=nsub),
        grid=(ntiles,),
        in_specs=[smem_spec, smem_spec]
        + [row_spec] * 4
        + [win_spec] * 4
        + [
            pl.BlockSpec((_NT_KNN, 8), lambda t: (t, 0)),
            pl.BlockSpec((nsub, 8, _W), lambda t: (0, 0, 0)),
        ],
        out_specs=pl.BlockSpec((_NT_KNN, _K), lambda t: (t, 0)),
        out_shape=jax.ShapeDtypeStruct((n, _K), jnp.int32),
    )(
        sb0, ns,
        pos[:, 0:1], pos[:, 1:2], pos[:, 2:3], batch_i32[:, None],
        posc[:, 0].reshape(nsub, _W), posc[:, 1].reshape(nsub, _W),
        posc[:, 2].reshape(nsub, _W), bc.reshape(nsub, _W),
        pos8, cpw,
    )


def _proj_body(x_ref, w1_ref, b1_ref, a_ref, bt_ref):
    x = x_ref[...]
    a_ref[...] = (
        jnp.dot(x, w1_ref[0:_D, :], preferred_element_type=jnp.float32)
        + b1_ref[...]
    )
    bt_ref[...] = jnp.dot(
        x, w1_ref[_D : 2 * _D, :], preferred_element_type=jnp.float32
    )


def _proj(x, w1, b1):
    n = x.shape[0]
    return pl.pallas_call(
        _proj_body,
        grid=(n // _NT,),
        in_specs=[
            pl.BlockSpec((_NT, _D), lambda t: (t, 0)),
            pl.BlockSpec((2 * _D, _D), lambda t: (0, 0)),
            pl.BlockSpec((1, _D), lambda t: (0, 0)),
        ],
        out_specs=[
            pl.BlockSpec((_NT, _D), lambda t: (t, 0)),
            pl.BlockSpec((_NT, _D), lambda t: (t, 0)),
        ],
        out_shape=[
            jax.ShapeDtypeStruct((n, _D), jnp.float32),
            jax.ShapeDtypeStruct((n, _D), jnp.float32),
        ],
    )(x, w1, b1.reshape(1, _D))


def _sc_gather(table, idx):
    e = idx.shape[0]
    info = plsc.get_sparse_core_info()
    nw = info.num_cores * info.num_subcores
    chunk = 128
    n_chunks = e // chunk
    mesh = plsc.VectorSubcoreMesh(core_axis_name="c", subcore_axis_name="s")

    @functools.partial(
        pl.kernel,
        mesh=mesh,
        out_type=jax.ShapeDtypeStruct((e, _D), jnp.float32),
        scratch_types=[
            pltpu.VMEM((chunk,), jnp.int32),
            pltpu.VMEM((chunk, _D), jnp.float32),
            pltpu.SemaphoreType.DMA,
        ],
    )
    def gather_kernel(table_hbm, idx_hbm, out_hbm, idx_v, rows_v, sem):
        wid = lax.axis_index("s") * info.num_cores + lax.axis_index("c")

        def body(i, carry):
            off = (wid + i * nw) * chunk
            pltpu.sync_copy(idx_hbm.at[pl.ds(off, chunk)], idx_v)
            pltpu.async_copy(table_hbm.at[idx_v], rows_v, sem).wait()
            pltpu.sync_copy(rows_v, out_hbm.at[pl.ds(off, chunk)])
            return carry

        count = (n_chunks - wid + nw - 1) // nw
        lax.fori_loop(0, count, body, 0)

    return gather_kernel(table, idx)


def _stats1_body(a_ref, g_ref, s_ref, q_ref):
    a = a_ref[...]
    s = jnp.zeros((1, _D), jnp.float32)
    q = jnp.zeros((1, _D), jnp.float32)
    for j in range(_K):
        z = a + g_ref[:, j, :]
        s = s + jnp.sum(z, axis=0, keepdims=True)
        q = q + jnp.sum(z * z, axis=0, keepdims=True)
    s_ref[0] = s
    q_ref[0] = q


def _stats1(a, g3):
    n = a.shape[0]
    grid = n // _NT
    return pl.pallas_call(
        _stats1_body,
        grid=(grid,),
        in_specs=[
            pl.BlockSpec((_NT, _D), lambda t: (t, 0)),
            pl.BlockSpec((_NT, _K, _D), lambda t: (t, 0, 0)),
        ],
        out_specs=[
            pl.BlockSpec((1, 1, _D), lambda t: (t, 0, 0)),
            pl.BlockSpec((1, 1, _D), lambda t: (t, 0, 0)),
        ],
        out_shape=[
            jax.ShapeDtypeStruct((grid, 1, _D), jnp.float32),
            jax.ShapeDtypeStruct((grid, 1, _D), jnp.float32),
        ],
    )(a, g3)


def _mlp2_body(a_ref, g_ref, a1_ref, b1_ref, w2_ref, bb2_ref, um_ref, s_ref, q_ref):
    a = a_ref[...]
    a1 = a1_ref[...]
    b1 = b1_ref[...]
    w2 = w2_ref[...]
    bb2 = bb2_ref[...]
    s = jnp.zeros((1, _D), jnp.float32)
    q = jnp.zeros((1, _D), jnp.float32)
    um = jnp.full((_NT, _D), -1e30, jnp.float32)
    for j in range(_K):
        z = a + g_ref[:, j, :]
        h = jnp.maximum(z * a1 + b1, 0.0)
        u = jnp.dot(h, w2, preferred_element_type=jnp.float32) + bb2
        um = jnp.maximum(um, u)
        s = s + jnp.sum(u, axis=0, keepdims=True)
        q = q + jnp.sum(u * u, axis=0, keepdims=True)
    um_ref[...] = um
    s_ref[0] = s
    q_ref[0] = q


def _mlp2(a, g3, a1, b1f, w2, b2):
    n = a.shape[0]
    grid = n // _NT
    vec = pl.BlockSpec((1, _D), lambda t: (0, 0))
    return pl.pallas_call(
        _mlp2_body,
        grid=(grid,),
        in_specs=[
            pl.BlockSpec((_NT, _D), lambda t: (t, 0)),
            pl.BlockSpec((_NT, _K, _D), lambda t: (t, 0, 0)),
            vec,
            vec,
            pl.BlockSpec((_D, _D), lambda t: (0, 0)),
            vec,
        ],
        out_specs=[
            pl.BlockSpec((_NT, _D), lambda t: (t, 0)),
            pl.BlockSpec((1, 1, _D), lambda t: (t, 0, 0)),
            pl.BlockSpec((1, 1, _D), lambda t: (t, 0, 0)),
        ],
        out_shape=[
            jax.ShapeDtypeStruct((n, _D), jnp.float32),
            jax.ShapeDtypeStruct((grid, 1, _D), jnp.float32),
            jax.ShapeDtypeStruct((grid, 1, _D), jnp.float32),
        ],
    )(a, g3, a1.reshape(1, _D), b1f.reshape(1, _D), w2, b2.reshape(1, _D))


def _agg_body(um_ref, a2_ref, b2_ref, agg_ref, s_ref, q_ref):
    m = jnp.maximum(um_ref[...] * a2_ref[...] + b2_ref[...], 0.0)
    agg_ref[...] = m
    s_ref[0] = jnp.sum(m, axis=0, keepdims=True)
    q_ref[0] = jnp.sum(m * m, axis=0, keepdims=True)


def _agg(umax, a2, b2f):
    n = umax.shape[0]
    grid = n // _NT
    vec = pl.BlockSpec((1, _D), lambda t: (0, 0))
    return pl.pallas_call(
        _agg_body,
        grid=(grid,),
        in_specs=[
            pl.BlockSpec((_NT, _D), lambda t: (t, 0)),
            vec,
            vec,
        ],
        out_specs=[
            pl.BlockSpec((_NT, _D), lambda t: (t, 0)),
            pl.BlockSpec((1, 1, _D), lambda t: (t, 0, 0)),
            pl.BlockSpec((1, 1, _D), lambda t: (t, 0, 0)),
        ],
        out_shape=[
            jax.ShapeDtypeStruct((n, _D), jnp.float32),
            jax.ShapeDtypeStruct((grid, 1, _D), jnp.float32),
            jax.ShapeDtypeStruct((grid, 1, _D), jnp.float32),
        ],
    )(umax, a2.reshape(1, _D), b2f.reshape(1, _D))


def _final_body(agg_ref, x_ref, a3_ref, b3_ref, o_ref):
    o_ref[...] = jnp.maximum(
        agg_ref[...] * a3_ref[...] + b3_ref[...] + x_ref[...], 0.0
    )


def _final(agg, x, a3, b3f):
    n = x.shape[0]
    vec = pl.BlockSpec((1, _D), lambda t: (0, 0))
    return pl.pallas_call(
        _final_body,
        grid=(n // _NT,),
        in_specs=[
            pl.BlockSpec((_NT, _D), lambda t: (t, 0)),
            pl.BlockSpec((_NT, _D), lambda t: (t, 0)),
            vec,
            vec,
        ],
        out_specs=pl.BlockSpec((_NT, _D), lambda t: (t, 0)),
        out_shape=jax.ShapeDtypeStruct((n, _D), jnp.float32),
    )(agg, x, a3.reshape(1, _D), b3f.reshape(1, _D))


def _bn_coeffs(s_parts, q_parts, count, gamma, beta):
    s = jnp.sum(s_parts, axis=(0, 1))
    q = jnp.sum(q_parts, axis=(0, 1))
    mu = s / count
    var = jnp.maximum(q / count - mu * mu, 0.0)
    a = gamma / jnp.sqrt(var + 1e-5)
    return a, beta - mu * a


def kernel(x, pos, batch, W1, b1, g1, be1, W2, b2, g2, be2, g3, be3):
    n = x.shape[0]
    batch_i32 = batch.astype(jnp.int32)

    nbr = _knn(pos, batch_i32)
    a, btab = _proj(x, W1, b1)
    g = _sc_gather(btab, nbr.reshape(-1))
    g3d = g.reshape(n, _K, _D)

    s1, q1 = _stats1(a, g3d)
    a1, b1f = _bn_coeffs(s1, q1, float(n * _K), g1, be1)

    umax, s2, q2 = _mlp2(a, g3d, a1, b1f, W2, b2)
    a2, b2f = _bn_coeffs(s2, q2, float(n * _K), g2, be2)

    agg, s3, q3 = _agg(umax, a2, b2f)
    a3, b3f = _bn_coeffs(s3, q3, float(n), g3, be3)

    return _final(agg, x, a3, b3f)

# --- scband reference (transcript-rebuilt; emitter-appended) ---
"""Pipeline reference for scband-deep-gcnlayer-3951369912917 (READ-ONLY COPY).

The authoritative reference and input builder live on the scoring server;
editing this copy changes nothing except your own understanding.
"""

import jax, jax.numpy as jnp
import numpy as np

K = 16

def knn_graph(pos, k, batch):
    N = pos.shape[0]
    pos = jax.lax.stop_gradient(pos)
    sq = jnp.sum(pos * pos, axis=-1)
    d2 = sq[:, None] + sq[None, :] - 2.0 * (pos @ pos.T)
    same = batch[:, None] == batch[None, :]
    eye = jnp.eye(N, dtype=bool)
    d2 = jnp.where(same & (~eye), d2, jnp.float32(1e10))
    _, idx = jax.lax.top_k(-d2, k)
    row = jnp.repeat(jnp.arange(N), k)
    col = idx.reshape(-1)
    return jnp.stack([row, col])

def batchnorm(x, g, b):
    mu = jnp.mean(x, axis=0, keepdims=True)
    var = jnp.var(x, axis=0, keepdims=True)
    return (x - mu) / jnp.sqrt(var + 1e-5) * g + b

def setup_inputs(seed: int = 0) -> dict:
    key = jax.random.key(seed)
    ks = jax.random.split(key, 8)
    N, d = 10000, 128
    x = jax.random.normal(ks[0], (N, d), dtype=jnp.float32)
    pos = jax.random.normal(ks[1], (N, 3), dtype=jnp.float32)
    batch = jnp.sort(jax.random.randint(ks[2], (N,), 0, 8)).astype(jnp.int64)
    W1 = jax.random.normal(ks[3], (2 * d, d), dtype=jnp.float32) / np.sqrt(2 * d)
    b1 = jnp.zeros((d,), dtype=jnp.float32)
    g1 = jnp.ones((d,), dtype=jnp.float32)
    be1 = jnp.zeros((d,), dtype=jnp.float32)
    W2 = jax.random.normal(ks[4], (d, d), dtype=jnp.float32) / np.sqrt(d)
    b2 = jnp.zeros((d,), dtype=jnp.float32)
    g2 = jnp.ones((d,), dtype=jnp.float32)
    be2 = jnp.zeros((d,), dtype=jnp.float32)
    g3 = jnp.ones((d,), dtype=jnp.float32)
    be3 = jnp.zeros((d,), dtype=jnp.float32)
    return {"x": x, "pos": pos, "batch": batch, "W1": W1, "b1": b1, "g1": g1, "be1": be1, "W2": W2, "b2": b2, "g2": g2, "be2": be2, "g3": g3, "be3": be3}

def reference(x, pos, batch, W1, b1, g1, be1, W2, b2, g2, be2, g3, be3):
    N = x.shape[0]
    edge_index = knn_graph(pos, K, batch)
    x_i = x[edge_index[0]]
    x_j = x[edge_index[1]]
    e = jnp.concatenate([x_i, x_j], axis=-1)
    e = jax.nn.relu(batchnorm(e @ W1 + b1, g1, be1))
    e = jax.nn.relu(batchnorm(e @ W2 + b2, g2, be2))
    agg = jax.ops.segment_max(e, edge_index[0], num_segments=N)
    out = batchnorm(agg, g3, be3) + x
    return jax.nn.relu(out)

if __name__ == "__main__":
    import jax
    _d = setup_inputs()
    print(jax.jit(kernel)(*tuple(_d.values())))

</pallas_src>

<mosaic_0001>
#map = affine_map<(d0, d1) -> (0, 0)>
#map1 = affine_map<(d0, d1) -> (0)>
module attributes {stable_mosaic.version = 14 : i64} {
  func.func @gather_kernel(%arg0: i32, %arg1: i32, %arg2: memref<10000x128xf32, #tpu.memory_space<hbm>>, %arg3: memref<160000xi32, #tpu.memory_space<hbm>>, %arg4: memref<160000x128xf32, #tpu.memory_space<hbm>>, %arg5: memref<128xi32, #tpu.memory_space<vmem>>, %arg6: memref<128x128xf32, #tpu.memory_space<vmem>>, %arg7: memref<!tpu.dma_semaphore, #tpu.memory_space<semaphore_mem>>) attributes {dimension_semantics = [#tpu.dimension_semantics<core_parallel>, #tpu.dimension_semantics<subcore_parallel>], iteration_bounds = array<i64: 2, 16>, scalar_prefetch = 0 : i64, scratch_operands = 3 : i64, tpu.core_type = #tpu.core_type<sc_vector_subcore>, window_params = [{transform_indices = #map}, {transform_indices = #map1}, {transform_indices = #map}]} {
    %mul3A = arith.constant 2 : i32
    %mul3A_0 = arith.muli %arg1, %mul3A : i32
    %add3A = arith.addi %mul3A_0, %arg0 : i32
    %sub3A = arith.constant 1250 : i32
    %sub3A_1 = arith.subi %sub3A, %add3A : i32
    %add3A_2 = arith.constant 32 : i32
    %add3A_3 = arith.addi %sub3A_1, %add3A_2 : i32
    %sub3A_4 = arith.constant 1 : i32
    %sub3A_5 = arith.subi %add3A_3, %sub3A_4 : i32
    %jit3A = arith.constant 32 : i32
    %div3A = arith.divsi %sub3A_5, %jit3A : i32
    %sign3A = arith.constant 0 : i32
    %sign3A_6 = arith.cmpi sgt, %sub3A_5, %sign3A : i32
    %sign3A_7 = arith.extui %sign3A_6 : i1 to i32
    %sign3A_8 = arith.constant 0 : i32
    %sign3A_9 = arith.cmpi slt, %sub3A_5, %sign3A_8 : i32
    %sign3A_10 = arith.extui %sign3A_9 : i1 to i32
    %sign3A_11 = arith.subi %sign3A_7, %sign3A_10 : i32
    %sign3A_12 = arith.constant 0 : i32
    %sign3A_13 = arith.cmpi sgt, %jit3A, %sign3A_12 : i32
    %sign3A_14 = arith.extui %sign3A_13 : i1 to i32
    %sign3A_15 = arith.constant 0 : i32
    %sign3A_16 = arith.cmpi slt, %jit3A, %sign3A_15 : i32
    %sign3A_17 = arith.extui %sign3A_16 : i1 to i32
    %sign3A_18 = arith.subi %sign3A_14, %sign3A_17 : i32
    %ne3A = arith.cmpi ne, %sign3A_11, %sign3A_18 : i32
    %rem3A = arith.remsi %sub3A_5, %jit3A : i32
    %ne3A_19 = arith.constant 0 : i32
    %ne3A_20 = arith.cmpi ne, %rem3A, %ne3A_19 : i32
    %and3A = arith.andi %ne3A, %ne3A_20 : i1
    %sub3A_21 = arith.constant 1 : i32
    %sub3A_22 = arith.subi %div3A, %sub3A_21 : i32
    %select_n3A = arith.select %and3A, %sub3A_22, %div3A : i32
    %while3A = arith.constant 0 : i32
    %while3A_23 = arith.constant 0 : i32
    %while3A_24 = arith.subi %select_n3A, %while3A_23 : i32
    %while3A_25 = arith.addi %while3A_23, %while3A_24 : i32
    %while3A_26 = arith.constant 1 : i32
    %while3A_27 = arith.divsi %while3A_24, %while3A_26 : i32
    %while3A_28 = arith.muli %while3A_27, %while3A_26 : i32
    %while3A_29 = arith.addi %while3A_23, %while3A_28 : i32
    %while3A_30 = arith.constant 1 : i32
    scf.for %while3A_32 = %while3A_23 to %while3A_29 step %while3A_30  : i32 {
      %mul3A_33 = arith.constant 32 : i32
      %mul3A_34 = arith.muli %while3A_32, %mul3A_33 : i32
      %add3A_35 = arith.addi %add3A, %mul3A_34 : i32
      %mul3A_36 = arith.constant 128 : i32
      %mul3A_37 = arith.muli %add3A_35, %mul3A_36 : i32
      "tpu.region"() ({
        %run_scoped3A = tpu.sem_alloc : memref<!tpu.dma_semaphore, #tpu.memory_space<semaphore_mem>>
        %dma_start3A_42 = tpu.memref_slice %arg3[%mul3A_37] : memref<160000xi32, #tpu.memory_space<hbm>> -> memref<128xi32, #tpu.memory_space<hbm>>
        %dma_start3A_43 = tpu.memref_slice %arg3[%mul3A_37] : memref<160000xi32, #tpu.memory_space<hbm>> -> memref<128xi32, #tpu.memory_space<hbm>>
        tpu.enqueue_dma source(%dma_start3A_43 : memref<128xi32, #tpu.memory_space<hbm>>) target(%arg5 : memref<128xi32, #tpu.memory_space<vmem>>) target_semaphore(%run_scoped3A : memref<!tpu.dma_semaphore, #tpu.memory_space<semaphore_mem>>)
        %dma_wait3A_44 = tpu.memref_slice %arg3[%mul3A_37] : memref<160000xi32, #tpu.memory_space<hbm>> -> memref<128xi32, #tpu.memory_space<hbm>>
        %dma_wait3A_45 = tpu.memref_slice %arg3[%mul3A_37] : memref<160000xi32, #tpu.memory_space<hbm>> -> memref<128xi32, #tpu.memory_space<hbm>>
        tpu.wait_dma2 semaphore(%run_scoped3A : memref<!tpu.dma_semaphore, #tpu.memory_space<semaphore_mem>>) src(%dma_wait3A_45 : memref<128xi32, #tpu.memory_space<hbm>>) dst(%arg5 : memref<128xi32, #tpu.memory_space<vmem>>)
        tpu.yield
      }) : () -> ()
      %dma_start3A = arith.constant 0 : i32
      %dma_start3A_38 = arith.constant 0 : i32
      %dma_start3A_39 = tpu.memref_slice %arg2[%dma_start3A, %dma_start3A_38] : memref<10000x128xf32, #tpu.memory_space<hbm>> -> memref<10000x128xf32, #tpu.memory_space<hbm>>
      tpu.enqueue_indirect_dma source(%dma_start3A_39 : memref<10000x128xf32, #tpu.memory_space<hbm>>) target(%arg6 : memref<128x128xf32, #tpu.memory_space<vmem>>) offsets(%arg5 : memref<128xi32, #tpu.memory_space<vmem>>) semaphore(%arg7 : memref<!tpu.dma_semaphore, #tpu.memory_space<semaphore_mem>>)
      %dma_wait3A = arith.constant 0 : i32
      %dma_wait3A_40 = arith.constant 0 : i32
      %dma_wait3A_41 = tpu.memref_slice %arg2[%dma_wait3A, %dma_wait3A_40] : memref<10000x128xf32, #tpu.memory_space<hbm>> -> memref<10000x128xf32, #tpu.memory_space<hbm>>
      tpu.wait_indirect_dma semaphore(%arg7 : memref<!tpu.dma_semaphore, #tpu.memory_space<semaphore_mem>>) src(%dma_wait3A_41 : memref<10000x128xf32, #tpu.memory_space<hbm>>) dst(%arg6 : memref<128x128xf32, #tpu.memory_space<vmem>>)
      "tpu.region"() ({
        %run_scoped3A = tpu.sem_alloc : memref<!tpu.dma_semaphore, #tpu.memory_space<semaphore_mem>>
        %dma_start3A_42 = arith.constant 0 : i32
        %dma_start3A_43 = tpu.memref_slice %arg4[%mul3A_37, %dma_start3A_42] : memref<160000x128xf32, #tpu.memory_space<hbm>> -> memref<128x128xf32, #tpu.memory_space<hbm>>
        %dma_start3A_44 = arith.constant 0 : i32
        %dma_start3A_45 = tpu.memref_slice %arg4[%mul3A_37, %dma_start3A_44] : memref<160000x128xf32, #tpu.memory_space<hbm>> -> memref<128x128xf32, #tpu.memory_space<hbm>>
        tpu.enqueue_dma source(%arg6 : memref<128x128xf32, #tpu.memory_space<vmem>>) target(%dma_start3A_45 : memref<128x128xf32, #tpu.memory_space<hbm>>) target_semaphore(%run_scoped3A : memref<!tpu.dma_semaphore, #tpu.memory_space<semaphore_mem>>)
        %dma_wait3A_46 = arith.constant 0 : i32
        %dma_wait3A_47 = tpu.memref_slice %arg4[%mul3A_37, %dma_wait3A_46] : memref<160000x128xf32, #tpu.memory_space<hbm>> -> memref<128x128xf32, #tpu.memory_space<hbm>>
        %dma_wait3A_48 = arith.constant 0 : i32
        %dma_wait3A_49 = tpu.memref_slice %arg4[%mul3A_37, %dma_wait3A_48] : memref<160000x128xf32, #tpu.memory_space<hbm>> -> memref<128x128xf32, #tpu.memory_space<hbm>>
        tpu.wait_dma2 semaphore(%run_scoped3A : memref<!tpu.dma_semaphore, #tpu.memory_space<semaphore_mem>>) src(%arg6 : memref<128x128xf32, #tpu.memory_space<vmem>>) dst(%dma_wait3A_49 : memref<128x128xf32, #tpu.memory_space<hbm>>)
        tpu.yield
      }) : () -> ()
    }
    %while3A_31 = arith.constant 1 : i32
    scf.for %while3A_32 = %while3A_29 to %while3A_25 step %while3A_31  : i32 {
      %mul3A_33 = arith.constant 32 : i32
      %mul3A_34 = arith.muli %while3A_32, %mul3A_33 : i32
      %add3A_35 = arith.addi %add3A, %mul3A_34 : i32
      %mul3A_36 = arith.constant 128 : i32
      %mul3A_37 = arith.muli %add3A_35, %mul3A_36 : i32
      "tpu.region"() ({
        %run_scoped3A = tpu.sem_alloc : memref<!tpu.dma_semaphore, #tpu.memory_space<semaphore_mem>>
        %dma_start3A_42 = tpu.memref_slice %arg3[%mul3A_37] : memref<160000xi32, #tpu.memory_space<hbm>> -> memref<128xi32, #tpu.memory_space<hbm>>
        %dma_start3A_43 = tpu.memref_slice %arg3[%mul3A_37] : memref<160000xi32, #tpu.memory_space<hbm>> -> memref<128xi32, #tpu.memory_space<hbm>>
        tpu.enqueue_dma source(%dma_start3A_43 : memref<128xi32, #tpu.memory_space<hbm>>) target(%arg5 : memref<128xi32, #tpu.memory_space<vmem>>) target_semaphore(%run_scoped3A : memref<!tpu.dma_semaphore, #tpu.memory_space<semaphore_mem>>)
        %dma_wait3A_44 = tpu.memref_slice %arg3[%mul3A_37] : memref<160000xi32, #tpu.memory_space<hbm>> -> memref<128xi32, #tpu.memory_space<hbm>>
        %dma_wait3A_45 = tpu.memref_slice %arg3[%mul3A_37] : memref<160000xi32, #tpu.memory_space<hbm>> -> memref<128xi32, #tpu.memory_space<hbm>>
        tpu.wait_dma2 semaphore(%run_scoped3A : memref<!tpu.dma_semaphore, #tpu.memory_space<semaphore_mem>>) src(%dma_wait3A_45 : memref<128xi32, #tpu.memory_space<hbm>>) dst(%arg5 : memref<128xi32, #tpu.memory_space<vmem>>)
        tpu.yield
      }) : () -> ()
      %dma_start3A = arith.constant 0 : i32
      %dma_start3A_38 = arith.constant 0 : i32
      %dma_start3A_39 = tpu.memref_slice %arg2[%dma_start3A, %dma_start3A_38] : memref<10000x128xf32, #tpu.memory_space<hbm>> -> memref<10000x128xf32, #tpu.memory_space<hbm>>
      tpu.enqueue_indirect_dma source(%dma_start3A_39 : memref<10000x128xf32, #tpu.memory_space<hbm>>) target(%arg6 : memref<128x128xf32, #tpu.memory_space<vmem>>) offsets(%arg5 : memref<128xi32, #tpu.memory_space<vmem>>) semaphore(%arg7 : memref<!tpu.dma_semaphore, #tpu.memory_space<semaphore_mem>>)
      %dma_wait3A = arith.constant 0 : i32
      %dma_wait3A_40 = arith.constant 0 : i32
      %dma_wait3A_41 = tpu.memref_slice %arg2[%dma_wait3A, %dma_wait3A_40] : memref<10000x128xf32, #tpu.memory_space<hbm>> -> memref<10000x128xf32, #tpu.memory_space<hbm>>
      tpu.wait_indirect_dma semaphore(%arg7 : memref<!tpu.dma_semaphore, #tpu.memory_space<semaphore_mem>>) src(%dma_wait3A_41 : memref<10000x128xf32, #tpu.memory_space<hbm>>) dst(%arg6 : memref<128x128xf32, #tpu.memory_space<vmem>>)
      "tpu.region"() ({
        %run_scoped3A = tpu.sem_alloc : memref<!tpu.dma_semaphore, #tpu.memory_space<semaphore_mem>>
        %dma_start3A_42 = arith.constant 0 : i32
        %dma_start3A_43 = tpu.memref_slice %arg4[%mul3A_37, %dma_start3A_42] : memref<160000x128xf32, #tpu.memory_space<hbm>> -> memref<128x128xf32, #tpu.memory_space<hbm>>
        %dma_start3A_44 = arith.constant 0 : i32
        %dma_start3A_45 = tpu.memref_slice %arg4[%mul3A_37, %dma_start3A_44] : memref<160000x128xf32, #tpu.memory_space<hbm>> -> memref<128x128xf32, #tpu.memory_space<hbm>>
        tpu.enqueue_dma source(%arg6 : memref<128x128xf32, #tpu.memory_space<vmem>>) target(%dma_start3A_45 : memref<128x128xf32, #tpu.memory_space<hbm>>) target_semaphore(%run_scoped3A : memref<!tpu.dma_semaphore, #tpu.memory_space<semaphore_mem>>)
        %dma_wait3A_46 = arith.constant 0 : i32
        %dma_wait3A_47 = tpu.memref_slice %arg4[%mul3A_37, %dma_wait3A_46] : memref<160000x128xf32, #tpu.memory_space<hbm>> -> memref<128x128xf32, #tpu.memory_space<hbm>>
        %dma_wait3A_48 = arith.constant 0 : i32
        %dma_wait3A_49 = tpu.memref_slice %arg4[%mul3A_37, %dma_wait3A_48] : memref<160000x128xf32, #tpu.memory_space<hbm>> -> memref<128x128xf32, #tpu.memory_space<hbm>>
        tpu.wait_dma2 semaphore(%run_scoped3A : memref<!tpu.dma_semaphore, #tpu.memory_space<semaphore_mem>>) src(%arg6 : memref<128x128xf32, #tpu.memory_space<vmem>>) dst(%dma_wait3A_49 : memref<128x128xf32, #tpu.memory_space<hbm>>)
        tpu.yield
      }) : () -> ()
    }
    return
  }
}

module attributes {stable_mosaic.version = 14 : i64} {
  func.func @_knn_body(%arg0: i32, %arg1: memref<125xi32, #tpu.memory_space<smem>>, %arg2: memref<125xi32, #tpu.memory_space<smem>>, %arg3: memref<80x1xf32, #tpu.memory_space<vmem>>, %arg4: memref<80x1xf32, #tpu.memory_space<vmem>>, %arg5: memref<80x1xf32, #tpu.memory_space<vmem>>, %arg6: memref<80x1xi32, #tpu.memory_space<vmem>>, %arg7: memref<20x512xf32, #tpu.memory_space<vmem>>, %arg8: memref<20x512xf32, #tpu.memory_space<vmem>>, %arg9: memref<20x512xf32, #tpu.memory_space<vmem>>, %arg10: memref<20x512xi32, #tpu.memory_space<vmem>>, %arg11: memref<80x8xf32, #tpu.memory_space<vmem>>, %arg12: memref<20x8x512xf32, #tpu.memory_space<vmem>>, %arg13: memref<80x16xi32, #tpu.memory_space<vmem>>) attributes {dimension_semantics = [#tpu.dimension_semantics<arbitrary>], iteration_bounds = array<i64: 125>, scalar_prefetch = 0 : i64, scratch_operands = 0 : i64, tpu.core_type = #tpu.core_type<tc>, window_params = [{transform_indices = @transform_0, window_bounds = array<i64: 125>}, {transform_indices = @transform_1, window_bounds = array<i64: 125>}, {transform_indices = @transform_2, window_bounds = array<i64: 80, 1>}, {transform_indices = @transform_3, window_bounds = array<i64: 80, 1>}, {transform_indices = @transform_4, window_bounds = array<i64: 80, 1>}, {transform_indices = @transform_5, window_bounds = array<i64: 80, 1>}, {pipeline_mode = #tpu.pipeline_mode<synchronous>, transform_indices = @transform_6, window_bounds = array<i64: 20, 512>}, {pipeline_mode = #tpu.pipeline_mode<synchronous>, transform_indices = @transform_7, window_bounds = array<i64: 20, 512>}, {pipeline_mode = #tpu.pipeline_mode<synchronous>, transform_indices = @transform_8, window_bounds = array<i64: 20, 512>}, {pipeline_mode = #tpu.pipeline_mode<synchronous>, transform_indices = @transform_9, window_bounds = array<i64: 20, 512>}, {transform_indices = @transform_10, window_bounds = array<i64: 80, 8>}, {pipeline_mode = #tpu.pipeline_mode<synchronous>, transform_indices = @transform_11, window_bounds = array<i64: 20, 8, 512>}, {transform_indices = @transform_12, window_bounds = array<i64: 80, 16>}]} {
    %get3A = arith.constant 0 : index
    %get3A_0 = arith.constant 0 : index
    %get3A_1 = vector.load %arg3[%get3A, %get3A_0] : memref<80x1xf32, #tpu.memory_space<vmem>>, vector<80x1xf32>
    %get3A_2 = arith.constant 0 : index
    %get3A_3 = arith.constant 0 : index
    %get3A_4 = vector.load %arg4[%get3A_2, %get3A_3] : memref<80x1xf32, #tpu.memory_space<vmem>>, vector<80x1xf32>
    %get3A_5 = arith.constant 0 : index
    %get3A_6 = arith.constant 0 : index
    %get3A_7 = vector.load %arg5[%get3A_5, %get3A_6] : memref<80x1xf32, #tpu.memory_space<vmem>>, vector<80x1xf32>
    %mul3A = arith.mulf %get3A_1, %get3A_1 : vector<80x1xf32>
    %mul3A_8 = arith.mulf %get3A_4, %get3A_4 : vector<80x1xf32>
    %add3A = arith.addf %mul3A, %mul3A_8 : vector<80x1xf32>
    %mul3A_9 = arith.mulf %get3A_7, %get3A_7 : vector<80x1xf32>
    %add3A_10 = arith.addf %add3A, %mul3A_9 : vector<80x1xf32>
    %get3A_11 = arith.constant 0 : index
    %get3A_12 = arith.constant 0 : index
    %get3A_13 = vector.load %arg6[%get3A_11, %get3A_12] : memref<80x1xi32, #tpu.memory_space<vmem>>, vector<80x1xi32>
    %get3A_14 = arith.constant 0 : index
    %get3A_15 = arith.constant 0 : index
    %get3A_16 = vector.load %arg11[%get3A_14, %get3A_15] : memref<80x8xf32, #tpu.memory_space<vmem>>, vector<80x8xf32>
    %mul3A_17 = arith.constant 80 : i32
    %mul3A_18 = arith.muli %arg0, %mul3A_17 : i32
    %iota3A = tpu.iota {dimensions = array<i32: 0>} : vector<80x1xi32>
    %add3A_19 = vector.broadcast %mul3A_18 : i32 to vector<80x1xi32>
    %add3A_20 = arith.addi %add3A_19, %iota3A : vector<80x1xi32>
    %iota3A_21 = tpu.iota {dimensions = array<i32: 1>} : vector<1x512xi32>
    %get3A_22 = arith.index_cast %arg0 : i32 to index
    %get3A_23 = memref.load %arg1[%get3A_22] : memref<125xi32, #tpu.memory_space<smem>>
    %broadcast_in_dim3A = arith.constant 1.000000e+10 : f32
    %broadcast_in_dim3A_24 = vector.broadcast %broadcast_in_dim3A : f32 to vector<80x16xf32>
    %iota3A_25 = tpu.iota {dimensions = array<i32: 1>} : vector<80x16xi32>
    %get3A_26 = arith.index_cast %arg0 : i32 to index
    %get3A_27 = memref.load %arg2[%get3A_26] : memref<125xi32, #tpu.memory_space<smem>>
    %while3A = arith.constant 0 : i32
    %while3A_28 = arith.subi %get3A_27, %while3A : i32
    %while3A_29 = arith.addi %while3A, %while3A_28 : i32
    %while3A_30 = arith.constant 1 : i32
    %while3A_31 = arith.divsi %while3A_28, %while3A_30 : i32
    %while3A_32 = arith.muli %while3A_31, %while3A_30 : i32
    %while3A_33 = arith.addi %while3A, %while3A_32 : i32
    %while3A_34 = arith.constant 1 : i32
    %while3A_35:2 = scf.for %while3A_40 = %while3A to %while3A_33 step %while3A_34 iter_args(%while3A_41 = %broadcast_in_dim3A_24, %while3A_42 = %iota3A_25) -> (vector<80x16xf32>, vector<80x16xi32>)  : i32 {
      %add3A_43 = arith.addi %get3A_23, %while3A_40 : i32
      %get3A_44 = arith.index_cast %add3A_43 : i32 to index
      %get3A_45 = arith.constant 0 : index
      %get3A_46 = vector.load %arg7[%get3A_44, %get3A_45] : memref<20x512xf32, #tpu.memory_space<vmem>>, vector<1x512xf32>
      %get3A_47 = arith.index_cast %add3A_43 : i32 to index
      %get3A_48 = arith.constant 0 : index
      %get3A_49 = vector.load %arg8[%get3A_47, %get3A_48] : memref<20x512xf32, #tpu.memory_space<vmem>>, vector<1x512xf32>
      %get3A_50 = arith.index_cast %add3A_43 : i32 to index
      %get3A_51 = arith.constant 0 : index
      %get3A_52 = vector.load %arg9[%get3A_50, %get3A_51] : memref<20x512xf32, #tpu.memory_space<vmem>>, vector<1x512xf32>
      %get3A_53 = arith.index_cast %add3A_43 : i32 to index
      %get3A_54 = arith.constant 0 : index
      %get3A_55 = vector.load %arg10[%get3A_53, %get3A_54] : memref<20x512xi32, #tpu.memory_space<vmem>>, vector<1x512xi32>
      %get3A_56 = arith.index_cast %add3A_43 : i32 to index
      %get3A_57 = arith.constant 0 : index
      %get3A_58 = arith.constant 0 : index
      %get3A_59 = vector.load %arg12[%get3A_56, %get3A_57, %get3A_58] : memref<20x8x512xf32, #tpu.memory_space<vmem>>, vector<1x8x512xf32>
      %reshape3A = vector.shape_cast %get3A_59 : vector<1x8x512xf32> to vector<8x512xf32>
      %mul3A_60 = arith.mulf %get3A_46, %get3A_46 : vector<1x512xf32>
      %mul3A_61 = arith.mulf %get3A_49, %get3A_49 : vector<1x512xf32>
      %add3A_62 = arith.addf %mul3A_60, %mul3A_61 : vector<1x512xf32>
      %mul3A_63 = arith.mulf %get3A_52, %get3A_52 : vector<1x512xf32>
      %add3A_64 = arith.addf %add3A_62, %mul3A_63 : vector<1x512xf32>
      %dot_general3A = arith.constant dense<0.000000e+00> : vector<80x512xf32>
      %dot_general3A_65 = tpu.matmul %get3A_16, %reshape3A, %dot_general3A {dimension_numbers = #tpu.dot_dimension_numbers<[1], [0], [0], [1], [0, 0, 1, 1], [], []>, transpose_lhs_hint = false} : vector<80x8xf32>, vector<8x512xf32>, vector<80x512xf32> -> vector<80x512xf32>
      %add3A_66 = vector.broadcast %add3A_10 : vector<80x1xf32> to vector<80x512xf32>
      %add3A_67 = vector.broadcast %add3A_64 : vector<1x512xf32> to vector<80x512xf32>
      %add3A_68 = arith.addf %add3A_66, %add3A_67 : vector<80x512xf32>
      %mul3A_69 = arith.constant 2.000000e+00 : f32
      %mul3A_70 = vector.broadcast %mul3A_69 : f32 to vector<80x512xf32>
      %mul3A_71 = arith.mulf %mul3A_70, %dot_general3A_65 : vector<80x512xf32>
      %sub3A = arith.subf %add3A_68, %mul3A_71 : vector<80x512xf32>
      %mul3A_72 = arith.constant 512 : i32
      %mul3A_73 = arith.muli %add3A_43, %mul3A_72 : i32
      %add3A_74 = vector.broadcast %mul3A_73 : i32 to vector<1x512xi32>
      %add3A_75 = arith.addi %add3A_74, %iota3A_21 : vector<1x512xi32>
      %eq3A = vector.broadcast %get3A_13 : vector<80x1xi32> to vector<80x512xi32>
      %eq3A_76 = vector.broadcast %get3A_55 : vector<1x512xi32> to vector<80x512xi32>
      %eq3A_77 = arith.cmpi eq, %eq3A, %eq3A_76 : vector<80x512xi32>
      %ne3A = vector.broadcast %add3A_20 : vector<80x1xi32> to vector<80x512xi32>
      %ne3A_78 = vector.broadcast %add3A_75 : vector<1x512xi32> to vector<80x512xi32>
      %ne3A_79 = arith.cmpi ne, %ne3A, %ne3A_78 : vector<80x512xi32>
      %and3A = arith.andi %eq3A_77, %ne3A_79 : vector<80x512xi1>
      %jit3A = arith.constant 1.000000e+10 : f32
      %broadcast_in_dim3A_80 = vector.broadcast %jit3A : f32 to vector<80x512xf32>
      %select_n3A = arith.select %and3A, %sub3A, %broadcast_in_dim3A_80 : vector<80x512xi1>, vector<80x512xf32>
      %concatenate3A = tpu.concatenate %while3A_41, %select_n3A in 1 : vector<80x16xf32>, vector<80x512xf32> -> vector<80x528xf32>
      %broadcast_in_dim3A_81 = vector.shape_cast %add3A_75 : vector<1x512xi32> to vector<1x512xi32>
      %broadcast_in_dim3A_82 = vector.broadcast %broadcast_in_dim3A_81 : vector<1x512xi32> to vector<80x512xi32>
      %concatenate3A_83 = tpu.concatenate %while3A_42, %broadcast_in_dim3A_82 in 1 : vector<80x16xi32>, vector<80x512xi32> -> vector<80x528xi32>
      %reduce_min3A = arith.constant dense<0x7F800000> : vector<80xf32>
      %reduce_min3A_84 = vector.multi_reduction <minimumf>, %concatenate3A, %reduce_min3A [1] : vector<80x528xf32> to vector<80xf32>
      %broadcast_in_dim3A_85 = vector.shape_cast %reduce_min3A_84 : vector<80xf32> to vector<80x1xf32>
      %eq3A_86 = vector.broadcast %broadcast_in_dim3A_85 : vector<80x1xf32> to vector<80x528xf32>
      %eq3A_87 = arith.cmpf oeq, %concatenate3A, %eq3A_86 : vector<80x528xf32>
      %jit3A_88 = arith.constant 1073741824 : i32
      %broadcast_in_dim3A_89 = vector.broadcast %jit3A_88 : i32 to vector<80x528xi32>
      %select_n3A_90 = arith.select %eq3A_87, %concatenate3A_83, %broadcast_in_dim3A_89 : vector<80x528xi1>, vector<80x528xi32>
      %reduce_min3A_91 = arith.constant dense<2147483647> : vector<80xi32>
      %reduce_min3A_92 = vector.multi_reduction <minsi>, %select_n3A_90, %reduce_min3A_91 [1] : vector<80x528xi32> to vector<80xi32>
      %broadcast_in_dim3A_93 = vector.shape_cast %reduce_min3A_92 : vector<80xi32> to vector<80x1xi32>
      %eq3A_94 = vector.broadcast %broadcast_in_dim3A_93 : vector<80x1xi32> to vector<80x528xi32>
      %eq3A_95 = arith.cmpi eq, %concatenate3A_83, %eq3A_94 : vector<80x528xi32>
      %jit3A_96 = arith.constant 2.000000e+10 : f32
      %broadcast_in_dim3A_97 = vector.broadcast %jit3A_96 : f32 to vector<80x528xf32>
      %select_n3A_98 = arith.select %eq3A_95, %broadcast_in_dim3A_97, %concatenate3A : vector<80x528xi1>, vector<80x528xf32>
      %reduce_min3A_99 = arith.constant dense<0x7F800000> : vector<80xf32>
      %reduce_min3A_100 = vector.multi_reduction <minimumf>, %select_n3A_98, %reduce_min3A_99 [1] : vector<80x528xf32> to vector<80xf32>
      %broadcast_in_dim3A_101 = vector.shape_cast %reduce_min3A_100 : vector<80xf32> to vector<80x1xf32>
      %eq3A_102 = vector.broadcast %broadcast_in_dim3A_101 : vector<80x1xf32> to vector<80x528xf32>
      %eq3A_103 = arith.cmpf oeq, %select_n3A_98, %eq3A_102 : vector<80x528xf32>
      %jit3A_104 = arith.constant 1073741824 : i32
      %broadcast_in_dim3A_105 = vector.broadcast %jit3A_104 : i32 to vector<80x528xi32>
      %select_n3A_106 = arith.select %eq3A_103, %concatenate3A_83, %broadcast_in_dim3A_105 : vector<80x528xi1>, vector<80x528xi32>
      %reduce_min3A_107 = arith.constant dense<2147483647> : vector<80xi32>
      %reduce_min3A_108 = vector.multi_reduction <minsi>, %select_n3A_106, %reduce_min3A_107 [1] : vector<80x528xi32> to vector<80xi32>
      %broadcast_in_dim3A_109 = vector.shape_cast %reduce_min3A_108 : vector<80xi32> to vector<80x1xi32>
      %eq3A_110 = vector.broadcast %broadcast_in_dim3A_109 : vector<80x1xi32> to vector<80x528xi32>
      %eq3A_111 = arith.cmpi eq, %concatenate3A_83, %eq3A_110 : vector<80x528xi32>
      %jit3A_112 = arith.constant 2.000000e+10 : f32
      %broadcast_in_dim3A_113 = vector.broadcast %jit3A_112 : f32 to vector<80x528xf32>
      %select_n3A_114 = arith.select %eq3A_111, %broadcast_in_dim3A_113, %select_n3A_98 : vector<80x528xi1>, vector<80x528xf32>
      %reduce_min3A_115 = arith.constant dense<0x7F800000> : vector<80xf32>
      %reduce_min3A_116 = vector.multi_reduction <minimumf>, %select_n3A_114, %reduce_min3A_115 [1] : vector<80x528xf32> to vector<80xf32>
      %broadcast_in_dim3A_117 = vector.shape_cast %reduce_min3A_116 : vector<80xf32> to vector<80x1xf32>
      %eq3A_118 = vector.broadcast %broadcast_in_dim3A_117 : vector<80x1xf32> to vector<80x528xf32>
      %eq3A_119 = arith.cmpf oeq, %select_n3A_114, %eq3A_118 : vector<80x528xf32>
      %jit3A_120 = arith.constant 1073741824 : i32
      %broadcast_in_dim3A_121 = vector.broadcast %jit3A_120 : i32 to vector<80x528xi32>
      %select_n3A_122 = arith.select %eq3A_119, %concatenate3A_83, %broadcast_in_dim3A_121 : vector<80x528xi1>, vector<80x528xi32>
      %reduce_min3A_123 = arith.constant dense<2147483647> : vector<80xi32>
      %reduce_min3A_124 = vector.multi_reduction <minsi>, %select_n3A_122, %reduce_min3A_123 [1] : vector<80x528xi32> to vector<80xi32>
      %broadcast_in_dim3A_125 = vector.shape_cast %reduce_min3A_124 : vector<80xi32> to vector<80x1xi32>
      %eq3A_126 = vector.broadcast %broadcast_in_dim3A_125 : vector<80x1xi32> to vector<80x528xi32>
      %eq3A_127 = arith.cmpi eq, %concatenate3A_83, %eq3A_126 : vector<80x528xi32>
      %jit3A_128 = arith.constant 2.000000e+10 : f32
      %broadcast_in_dim3A_129 = vector.broadcast %jit3A_128 : f32 to vector<80x528xf32>
      %select_n3A_130 = arith.select %eq3A_127, %broadcast_in_dim3A_129, %select_n3A_114 : vector<80x528xi1>, vector<80x528xf32>
      %reduce_min3A_131 = arith.constant dense<0x7F800000> : vector<80xf32>
      %reduce_min3A_132 = vector.multi_reduction <minimumf>, %select_n3A_130, %reduce_min3A_131 [1] : vector<80x528xf32> to vector<80xf32>
      %broadcast_in_dim3A_133 = vector.shape_cast %reduce_min3A_132 : vector<80xf32> to vector<80x1xf32>
      %eq3A_134 = vector.broadcast %broadcast_in_dim3A_133 : vector<80x1xf32> to vector<80x528xf32>
      %eq3A_135 = arith.cmpf oeq, %select_n3A_130, %eq3A_134 : vector<80x528xf32>
      %jit3A_136 = arith.constant 1073741824 : i32
      %broadcast_in_dim3A_137 = vector.broadcast %jit3A_136 : i32 to vector<80x528xi32>
      %select_n3A_138 = arith.select %eq3A_135, %concatenate3A_83, %broadcast_in_dim3A_137 : vector<80x528xi1>, vector<80x528xi32>
      %reduce_min3A_139 = arith.constant dense<2147483647> : vector<80xi32>
      %reduce_min3A_140 = vector.multi_reduction <minsi>, %select_n3A_138, %reduce_min3A_139 [1] : vector<80x528xi32> to vector<80xi32>
      %broadcast_in_dim3A_141 = vector.shape_cast %reduce_min3A_140 : vector<80xi32> to vector<80x1xi32>
      %eq3A_142 = vector.broadcast %broadcast_in_dim3A_141 : vector<80x1xi32> to vector<80x528xi32>
      %eq3A_143 = arith.cmpi eq, %concatenate3A_83, %eq3A_142 : vector<80x528xi32>
      %jit3A_144 = arith.constant 2.000000e+10 : f32
      %broadcast_in_dim3A_145 = vector.broadcast %jit3A_144 : f32 to vector<80x528xf32>
      %select_n3A_146 = arith.select %eq3A_143, %broadcast_in_dim3A_145, %select_n3A_130 : vector<80x528xi1>, vector<80x528xf32>
      %reduce_min3A_147 = arith.constant dense<0x7F800000> : vector<80xf32>
      %reduce_min3A_148 = vector.multi_reduction <minimumf>, %select_n3A_146, %reduce_min3A_147 [1] : vector<80x528xf32> to vector<80xf32>
      %broadcast_in_dim3A_149 = vector.shape_cast %reduce_min3A_148 : vector<80xf32> to vector<80x1xf32>
      %eq3A_150 = vector.broadcast %broadcast_in_dim3A_149 : vector<80x1xf32> to vector<80x528xf32>
      %eq3A_151 = arith.cmpf oeq, %select_n3A_146, %eq3A_150 : vector<80x528xf32>
      %jit3A_152 = arith.constant 1073741824 : i32
      %broadcast_in_dim3A_153 = vector.broadcast %jit3A_152 : i32 to vector<80x528xi32>
      %select_n3A_154 = arith.select %eq3A_151, %concatenate3A_83, %broadcast_in_dim3A_153 : vector<80x528xi1>, vector<80x528xi32>
      %reduce_min3A_155 = arith.constant dense<2147483647> : vector<80xi32>
      %reduce_min3A_156 = vector.multi_reduction <minsi>, %select_n3A_154, %reduce_min3A_155 [1] : vector<80x528xi32> to vector<80xi32>
      %broadcast_in_dim3A_157 = vector.shape_cast %reduce_min3A_156 : vector<80xi32> to vector<80x1xi32>
      %eq3A_158 = vector.broadcast %broadcast_in_dim3A_157 : vector<80x1xi32> to vector<80x528xi32>
      %eq3A_159 = arith.cmpi eq, %concatenate3A_83, %eq3A_158 : vector<80x528xi32>
      %jit3A_160 = arith.constant 2.000000e+10 : f32
      %broadcast_in_dim3A_161 = vector.broadcast %jit3A_160 : f32 to vector<80x528xf32>
      %select_n3A_162 = arith.select %eq3A_159, %broadcast_in_dim3A_161, %select_n3A_146 : vector<80x528xi1>, vector<80x528xf32>
      %reduce_min3A_163 = arith.constant dense<0x7F800000> : vector<80xf32>
      %reduce_min3A_164 = vector.multi_reduction <minimumf>, %select_n3A_162, %reduce_min3A_163 [1] : vector<80x528xf32> to vector<80xf32>
      %broadcast_in_dim3A_165 = vector.shape_cast %reduce_min3A_164 : vector<80xf32> to vector<80x1xf32>
      %eq3A_166 = vector.broadcast %broadcast_in_dim3A_165 : vector<80x1xf32> to vector<80x528xf32>
      %eq3A_167 = arith.cmpf oeq, %select_n3A_162, %eq3A_166 : vector<80x528xf32>
      %jit3A_168 = arith.constant 1073741824 : i32
      %broadcast_in_dim3A_169 = vector.broadcast %jit3A_168 : i32 to vector<80x528xi32>
      %select_n3A_170 = arith.select %eq3A_167, %concatenate3A_83, %broadcast_in_dim3A_169 : vector<80x528xi1>, vector<80x528xi32>
      %reduce_min3A_171 = arith.constant dense<2147483647> : vector<80xi32>
      %reduce_min3A_172 = vector.multi_reduction <minsi>, %select_n3A_170, %reduce_min3A_171 [1] : vector<80x528xi32> to vector<80xi32>
      %broadcast_in_dim3A_173 = vector.shape_cast %reduce_min3A_172 : vector<80xi32> to vector<80x1xi32>
      %eq3A_174 = vector.broadcast %broadcast_in_dim3A_173 : vector<80x1xi32> to vector<80x528xi32>
      %eq3A_175 = arith.cmpi eq, %concatenate3A_83, %eq3A_174 : vector<80x528xi32>
      %jit3A_176 = arith.constant 2.000000e+10 : f32
      %broadcast_in_dim3A_177 = vector.broadcast %jit3A_176 : f32 to vector<80x528xf32>
      %select_n3A_178 = arith.select %eq3A_175, %broadcast_in_dim3A_177, %select_n3A_162 : vector<80x528xi1>, vector<80x528xf32>
      %reduce_min3A_179 = arith.constant dense<0x7F800000> : vector<80xf32>
      %reduce_min3A_180 = vector.multi_reduction <minimumf>, %select_n3A_178, %reduce_min3A_179 [1] : vector<80x528xf32> to vector<80xf32>
      %broadcast_in_dim3A_181 = vector.shape_cast %reduce_min3A_180 : vector<80xf32> to vector<80x1xf32>
      %eq3A_182 = vector.broadcast %broadcast_in_dim3A_181 : vector<80x1xf32> to vector<80x528xf32>
      %eq3A_183 = arith.cmpf oeq, %select_n3A_178, %eq3A_182 : vector<80x528xf32>
      %jit3A_184 = arith.constant 1073741824 : i32
      %broadcast_in_dim3A_185 = vector.broadcast %jit3A_184 : i32 to vector<80x528xi32>
      %select_n3A_186 = arith.select %eq3A_183, %concatenate3A_83, %broadcast_in_dim3A_185 : vector<80x528xi1>, vector<80x528xi32>
      %reduce_min3A_187 = arith.constant dense<2147483647> : vector<80xi32>
      %reduce_min3A_188 = vector.multi_reduction <minsi>, %select_n3A_186, %reduce_min3A_187 [1] : vector<80x528xi32> to vector<80xi32>
      %broadcast_in_dim3A_189 = vector.shape_cast %reduce_min3A_188 : vector<80xi32> to vector<80x1xi32>
      %eq3A_190 = vector.broadcast %broadcast_in_dim3A_189 : vector<80x1xi32> to vector<80x528xi32>
      %eq3A_191 = arith.cmpi eq, %concatenate3A_83, %eq3A_190 : vector<80x528xi32>
      %jit3A_192 = arith.constant 2.000000e+10 : f32
      %broadcast_in_dim3A_193 = vector.broadcast %jit3A_192 : f32 to vector<80x528xf32>
      %select_n3A_194 = arith.select %eq3A_191, %broadcast_in_dim3A_193, %select_n3A_178 : vector<80x528xi1>, vector<80x528xf32>
      %reduce_min3A_195 = arith.constant dense<0x7F800000> : vector<80xf32>
      %reduce_min3A_196 = vector.multi_reduction <minimumf>, %select_n3A_194, %reduce_min3A_195 [1] : vector<80x528xf32> to vector<80xf32>
      %broadcast_in_dim3A_197 = vector.shape_cast %reduce_min3A_196 : vector<80xf32> to vector<80x1xf32>
      %eq3A_198 = vector.broadcast %broadcast_in_dim3A_197 : vector<80x1xf32> to vector<80x528xf32>
      %eq3A_199 = arith.cmpf oeq, %select_n3A_194, %eq3A_198 : vector<80x528xf32>
      %jit3A_200 = arith.constant 1073741824 : i32
      %broadcast_in_dim3A_201 = vector.broadcast %jit3A_200 : i32 to vector<80x528xi32>
      %select_n3A_202 = arith.select %eq3A_199, %concatenate3A_83, %broadcast_in_dim3A_201 : vector<80x528xi1>, vector<80x528xi32>
      %reduce_min3A_203 = arith.constant dense<2147483647> : vector<80xi32>
      %reduce_min3A_204 = vector.multi_reduction <minsi>, %select_n3A_202, %reduce_min3A_203 [1] : vector<80x528xi32> to vector<80xi32>
      %broadcast_in_dim3A_205 = vector.shape_cast %reduce_min3A_204 : vector<80xi32> to vector<80x1xi32>
      %eq3A_206 = vector.broadcast %broadcast_in_dim3A_205 : vector<80x1xi32> to vector<80x528xi32>
      %eq3A_207 = arith.cmpi eq, %concatenate3A_83, %eq3A_206 : vector<80x528xi32>
      %jit3A_208 = arith.constant 2.000000e+10 : f32
      %broadcast_in_dim3A_209 = vector.broadcast %jit3A_208 : f32 to vector<80x528xf32>
      %select_n3A_210 = arith.select %eq3A_207, %broadcast_in_dim3A_209, %select_n3A_194 : vector<80x528xi1>, vector<80x528xf32>
      %reduce_min3A_211 = arith.constant dense<0x7F800000> : vector<80xf32>
      %reduce_min3A_212 = vector.multi_reduction <minimumf>, %select_n3A_210, %reduce_min3A_211 [1] : vector<80x528xf32> to vector<80xf32>
      %broadcast_in_dim3A_213 = vector.shape_cast %reduce_min3A_212 : vector<80xf32> to vector<80x1xf32>
      %eq3A_214 = vector.broadcast %broadcast_in_dim3A_213 : vector<80x1xf32> to vector<80x528xf32>
      %eq3A_215 = arith.cmpf oeq, %select_n3A_210, %eq3A_214 : vector<80x528xf32>
      %jit3A_216 = arith.constant 1073741824 : i32
      %broadcast_in_dim3A_217 = vector.broadcast %jit3A_216 : i32 to vector<80x528xi32>
      %select_n3A_218 = arith.select %eq3A_215, %concatenate3A_83, %broadcast_in_dim3A_217 : vector<80x528xi1>, vector<80x528xi32>
      %reduce_min3A_219 = arith.constant dense<2147483647> : vector<80xi32>
      %reduce_min3A_220 = vector.multi_reduction <minsi>, %select_n3A_218, %reduce_min3A_219 [1] : vector<80x528xi32> to vector<80xi32>
      %broadcast_in_dim3A_221 = vector.shape_cast %reduce_min3A_220 : vector<80xi32> to vector<80x1xi32>
      %eq3A_222 = vector.broadcast %broadcast_in_dim3A_221 : vector<80x1xi32> to vector<80x528xi32>
      %eq3A_223 = arith.cmpi eq, %concatenate3A_83, %eq3A_222 : vector<80x528xi32>
      %jit3A_224 = arith.constant 2.000000e+10 : f32
      %broadcast_in_dim3A_225 = vector.broadcast %jit3A_224 : f32 to vector<80x528xf32>
      %select_n3A_226 = arith.select %eq3A_223, %broadcast_in_dim3A_225, %select_n3A_210 : vector<80x528xi1>, vector<80x528xf32>
      %reduce_min3A_227 = arith.constant dense<0x7F800000> : vector<80xf32>
      %reduce_min3A_228 = vector.multi_reduction <minimumf>, %select_n3A_226, %reduce_min3A_227 [1] : vector<80x528xf32> to vector<80xf32>
      %broadcast_in_dim3A_229 = vector.shape_cast %reduce_min3A_228 : vector<80xf32> to vector<80x1xf32>
      %eq3A_230 = vector.broadcast %broadcast_in_dim3A_229 : vector<80x1xf32> to vector<80x528xf32>
      %eq3A_231 = arith.cmpf oeq, %select_n3A_226, %eq3A_230 : vector<80x528xf32>
      %jit3A_232 = arith.constant 1073741824 : i32
      %broadcast_in_dim3A_233 = vector.broadcast %jit3A_232 : i32 to vector<80x528xi32>
      %select_n3A_234 = arith.select %eq3A_231, %concatenate3A_83, %broadcast_in_dim3A_233 : vector<80x528xi1>, vector<80x528xi32>
      %reduce_min3A_235 = arith.constant dense<2147483647> : vector<80xi32>
      %reduce_min3A_236 = vector.multi_reduction <minsi>, %select_n3A_234, %reduce_min3A_235 [1] : vector<80x528xi32> to vector<80xi32>
      %broadcast_in_dim3A_237 = vector.shape_cast %reduce_min3A_236 : vector<80xi32> to vector<80x1xi32>
      %eq3A_238 = vector.broadcast %broadcast_in_dim3A_237 : vector<80x1xi32> to vector<80x528xi32>
      %eq3A_239 = arith.cmpi eq, %concatenate3A_83, %eq3A_238 : vector<80x528xi32>
      %jit3A_240 = arith.constant 2.000000e+10 : f32
      %broadcast_in_dim3A_241 = vector.broadcast %jit3A_240 : f32 to vector<80x528xf32>
      %select_n3A_242 = arith.select %eq3A_239, %broadcast_in_dim3A_241, %select_n3A_226 : vector<80x528xi1>, vector<80x528xf32>
      %reduce_min3A_243 = arith.constant dense<0x7F800000> : vector<80xf32>
      %reduce_min3A_244 = vector.multi_reduction <minimumf>, %select_n3A_242, %reduce_min3A_243 [1] : vector<80x528xf32> to vector<80xf32>
      %broadcast_in_dim3A_245 = vector.shape_cast %reduce_min3A_244 : vector<80xf32> to vector<80x1xf32>
      %eq3A_246 = vector.broadcast %broadcast_in_dim3A_245 : vector<80x1xf32> to vector<80x528xf32>
      %eq3A_247 = arith.cmpf oeq, %select_n3A_242, %eq3A_246 : vector<80x528xf32>
      %jit3A_248 = arith.constant 1073741824 : i32
      %broadcast_in_dim3A_249 = vector.broadcast %jit3A_248 : i32 to vector<80x528xi32>
      %select_n3A_250 = arith.select %eq3A_247, %concatenate3A_83, %broadcast_in_dim3A_249 : vector<80x528xi1>, vector<80x528xi32>
      %reduce_min3A_251 = arith.constant dense<2147483647> : vector<80xi32>
      %reduce_min3A_252 = vector.multi_reduction <minsi>, %select_n3A_250, %reduce_min3A_251 [1] : vector<80x528xi32> to vector<80xi32>
      %broadcast_in_dim3A_253 = vector.shape_cast %reduce_min3A_252 : vector<80xi32> to vector<80x1xi32>
      %eq3A_254 = vector.broadcast %broadcast_in_dim3A_253 : vector<80x1xi32> to vector<80x528xi32>
      %eq3A_255 = arith.cmpi eq, %concatenate3A_83, %eq3A_254 : vector<80x528xi32>
      %jit3A_256 = arith.constant 2.000000e+10 : f32
      %broadcast_in_dim3A_257 = vector.broadcast %jit3A_256 : f32 to vector<80x528xf32>
      %select_n3A_258 = arith.select %eq3A_255, %broadcast_in_dim3A_257, %select_n3A_242 : vector<80x528xi1>, vector<80x528xf32>
      %reduce_min3A_259 = arith.constant dense<0x7F800000> : vector<80xf32>
      %reduce_min3A_260 = vector.multi_reduction <minimumf>, %select_n3A_258, %reduce_min3A_259 [1] : vector<80x528xf32> to vector<80xf32>
      %broadcast_in_dim3A_261 = vector.shape_cast %reduce_min3A_260 : vector<80xf32> to vector<80x1xf32>
      %eq3A_262 = vector.broadcast %broadcast_in_dim3A_261 : vector<80x1xf32> to vector<80x528xf32>
      %eq3A_263 = arith.cmpf oeq, %select_n3A_258, %eq3A_262 : vector<80x528xf32>
      %jit3A_264 = arith.constant 1073741824 : i32
      %broadcast_in_dim3A_265 = vector.broadcast %jit3A_264 : i32 to vector<80x528xi32>
      %select_n3A_266 = arith.select %eq3A_263, %concatenate3A_83, %broadcast_in_dim3A_265 : vector<80x528xi1>, vector<80x528xi32>
      %reduce_min3A_267 = arith.constant dense<2147483647> : vector<80xi32>
      %reduce_min3A_268 = vector.multi_reduction <minsi>, %select_n3A_266, %reduce_min3A_267 [1] : vector<80x528xi32> to vector<80xi32>
      %broadcast_in_dim3A_269 = vector.shape_cast %reduce_min3A_268 : vector<80xi32> to vector<80x1xi32>
      %eq3A_270 = vector.broadcast %broadcast_in_dim3A_269 : vector<80x1xi32> to vector<80x528xi32>
      %eq3A_271 = arith.cmpi eq, %concatenate3A_83, %eq3A_270 : vector<80x528xi32>
      %jit3A_272 = arith.constant 2.000000e+10 : f32
      %broadcast_in_dim3A_273 = vector.broadcast %jit3A_272 : f32 to vector<80x528xf32>
      %select_n3A_274 = arith.select %eq3A_271, %broadcast_in_dim3A_273, %select_n3A_258 : vector<80x528xi1>, vector<80x528xf32>
      %reduce_min3A_275 = arith.constant dense<0x7F800000> : vector<80xf32>
      %reduce_min3A_276 = vector.multi_reduction <minimumf>, %select_n3A_274, %reduce_min3A_275 [1] : vector<80x528xf32> to vector<80xf32>
      %broadcast_in_dim3A_277 = vector.shape_cast %reduce_min3A_276 : vector<80xf32> to vector<80x1xf32>
      %eq3A_278 = vector.broadcast %broadcast_in_dim3A_277 : vector<80x1xf32> to vector<80x528xf32>
      %eq3A_279 = arith.cmpf oeq, %select_n3A_274, %eq3A_278 : vector<80x528xf32>
      %jit3A_280 = arith.constant 1073741824 : i32
      %broadcast_in_dim3A_281 = vector.broadcast %jit3A_280 : i32 to vector<80x528xi32>
      %select_n3A_282 = arith.select %eq3A_279, %concatenate3A_83, %broadcast_in_dim3A_281 : vector<80x528xi1>, vector<80x528xi32>
      %reduce_min3A_283 = arith.constant dense<2147483647> : vector<80xi32>
      %reduce_min3A_284 = vector.multi_reduction <minsi>, %select_n3A_282, %reduce_min3A_283 [1] : vector<80x528xi32> to vector<80xi32>
      %broadcast_in_dim3A_285 = vector.shape_cast %reduce_min3A_284 : vector<80xi32> to vector<80x1xi32>
      %eq3A_286 = vector.broadcast %broadcast_in_dim3A_285 : vector<80x1xi32> to vector<80x528xi32>
      %eq3A_287 = arith.cmpi eq, %concatenate3A_83, %eq3A_286 : vector<80x528xi32>
      %jit3A_288 = arith.constant 2.000000e+10 : f32
      %broadcast_in_dim3A_289 = vector.broadcast %jit3A_288 : f32 to vector<80x528xf32>
      %select_n3A_290 = arith.select %eq3A_287, %broadcast_in_dim3A_289, %select_n3A_274 : vector<80x528xi1>, vector<80x528xf32>
      %reduce_min3A_291 = arith.constant dense<0x7F800000> : vector<80xf32>
      %reduce_min3A_292 = vector.multi_reduction <minimumf>, %select_n3A_290, %reduce_min3A_291 [1] : vector<80x528xf32> to vector<80xf32>
      %broadcast_in_dim3A_293 = vector.shape_cast %reduce_min3A_292 : vector<80xf32> to vector<80x1xf32>
      %eq3A_294 = vector.broadcast %broadcast_in_dim3A_293 : vector<80x1xf32> to vector<80x528xf32>
      %eq3A_295 = arith.cmpf oeq, %select_n3A_290, %eq3A_294 : vector<80x528xf32>
      %jit3A_296 = arith.constant 1073741824 : i32
      %broadcast_in_dim3A_297 = vector.broadcast %jit3A_296 : i32 to vector<80x528xi32>
      %select_n3A_298 = arith.select %eq3A_295, %concatenate3A_83, %broadcast_in_dim3A_297 : vector<80x528xi1>, vector<80x528xi32>
      %reduce_min3A_299 = arith.constant dense<2147483647> : vector<80xi32>
      %reduce_min3A_300 = vector.multi_reduction <minsi>, %select_n3A_298, %reduce_min3A_299 [1] : vector<80x528xi32> to vector<80xi32>
      %broadcast_in_dim3A_301 = vector.shape_cast %reduce_min3A_300 : vector<80xi32> to vector<80x1xi32>
      %eq3A_302 = vector.broadcast %broadcast_in_dim3A_301 : vector<80x1xi32> to vector<80x528xi32>
      %eq3A_303 = arith.cmpi eq, %concatenate3A_83, %eq3A_302 : vector<80x528xi32>
      %jit3A_304 = arith.constant 2.000000e+10 : f32
      %broadcast_in_dim3A_305 = vector.broadcast %jit3A_304 : f32 to vector<80x528xf32>
      %select_n3A_306 = arith.select %eq3A_303, %broadcast_in_dim3A_305, %select_n3A_290 : vector<80x528xi1>, vector<80x528xf32>
      %reduce_min3A_307 = arith.constant dense<0x7F800000> : vector<80xf32>
      %reduce_min3A_308 = vector.multi_reduction <minimumf>, %select_n3A_306, %reduce_min3A_307 [1] : vector<80x528xf32> to vector<80xf32>
      %broadcast_in_dim3A_309 = vector.shape_cast %reduce_min3A_308 : vector<80xf32> to vector<80x1xf32>
      %eq3A_310 = vector.broadcast %broadcast_in_dim3A_309 : vector<80x1xf32> to vector<80x528xf32>
      %eq3A_311 = arith.cmpf oeq, %select_n3A_306, %eq3A_310 : vector<80x528xf32>
      %jit3A_312 = arith.constant 1073741824 : i32
      %broadcast_in_dim3A_313 = vector.broadcast %jit3A_312 : i32 to vector<80x528xi32>
      %select_n3A_314 = arith.select %eq3A_311, %concatenate3A_83, %broadcast_in_dim3A_313 : vector<80x528xi1>, vector<80x528xi32>
      %reduce_min3A_315 = arith.constant dense<2147483647> : vector<80xi32>
      %reduce_min3A_316 = vector.multi_reduction <minsi>, %select_n3A_314, %reduce_min3A_315 [1] : vector<80x528xi32> to vector<80xi32>
      %broadcast_in_dim3A_317 = vector.shape_cast %reduce_min3A_316 : vector<80xi32> to vector<80x1xi32>
      %eq3A_318 = vector.broadcast %broadcast_in_dim3A_317 : vector<80x1xi32> to vector<80x528xi32>
      %eq3A_319 = arith.cmpi eq, %concatenate3A_83, %eq3A_318 : vector<80x528xi32>
      %jit3A_320 = arith.constant 2.000000e+10 : f32
      %broadcast_in_dim3A_321 = vector.broadcast %jit3A_320 : f32 to vector<80x528xf32>
      %select_n3A_322 = arith.select %eq3A_319, %broadcast_in_dim3A_321, %select_n3A_306 : vector<80x528xi1>, vector<80x528xf32>
      %reduce_min3A_323 = arith.constant dense<0x7F800000> : vector<80xf32>
      %reduce_min3A_324 = vector.multi_reduction <minimumf>, %select_n3A_322, %reduce_min3A_323 [1] : vector<80x528xf32> to vector<80xf32>
      %broadcast_in_dim3A_325 = vector.shape_cast %reduce_min3A_324 : vector<80xf32> to vector<80x1xf32>
      %eq3A_326 = vector.broadcast %broadcast_in_dim3A_325 : vector<80x1xf32> to vector<80x528xf32>
      %eq3A_327 = arith.cmpf oeq, %select_n3A_322, %eq3A_326 : vector<80x528xf32>
      %jit3A_328 = arith.constant 1073741824 : i32
      %broadcast_in_dim3A_329 = vector.broadcast %jit3A_328 : i32 to vector<80x528xi32>
      %select_n3A_330 = arith.select %eq3A_327, %concatenate3A_83, %broadcast_in_dim3A_329 : vector<80x528xi1>, vector<80x528xi32>
      %reduce_min3A_331 = arith.constant dense<2147483647> : vector<80xi32>
      %reduce_min3A_332 = vector.multi_reduction <minsi>, %select_n3A_330, %reduce_min3A_331 [1] : vector<80x528xi32> to vector<80xi32>
      %broadcast_in_dim3A_333 = vector.shape_cast %reduce_min3A_332 : vector<80xi32> to vector<80x1xi32>
      %eq3A_334 = vector.broadcast %broadcast_in_dim3A_333 : vector<80x1xi32> to vector<80x528xi32>
      %eq3A_335 = arith.cmpi eq, %concatenate3A_83, %eq3A_334 : vector<80x528xi32>
      %jit3A_336 = arith.constant 2.000000e+10 : f32
      %broadcast_in_dim3A_337 = vector.broadcast %jit3A_336 : f32 to vector<80x528xf32>
      %select_n3A_338 = arith.select %eq3A_335, %broadcast_in_dim3A_337, %select_n3A_322 : vector<80x528xi1>, vector<80x528xf32>
      %concatenate3A_339 = tpu.concatenate %broadcast_in_dim3A_85, %broadcast_in_dim3A_101, %broadcast_in_dim3A_117, %broadcast_in_dim3A_133, %broadcast_in_dim3A_149, %broadcast_in_dim3A_165, %broadcast_in_dim3A_181, %broadcast_in_dim3A_197, %broadcast_in_dim3A_213, %broadcast_in_dim3A_229, %broadcast_in_dim3A_245, %broadcast_in_dim3A_261, %broadcast_in_dim3A_277, %broadcast_in_dim3A_293, %broadcast_in_dim3A_309, %broadcast_in_dim3A_325 in 1 : vector<80x1xf32>, vector<80x1xf32>, vector<80x1xf32>, vector<80x1xf32>, vector<80x1xf32>, vector<80x1xf32>, vector<80x1xf32>, vector<80x1xf32>, vector<80x1xf32>, vector<80x1xf32>, vector<80x1xf32>, vector<80x1xf32>, vector<80x1xf32>, vector<80x1xf32>, vector<80x1xf32>, vector<80x1xf32> -> vector<80x16xf32>
      %concatenate3A_340 = tpu.concatenate %broadcast_in_dim3A_93, %broadcast_in_dim3A_109, %broadcast_in_dim3A_125, %broadcast_in_dim3A_141, %broadcast_in_dim3A_157, %broadcast_in_dim3A_173, %broadcast_in_dim3A_189, %broadcast_in_dim3A_205, %broadcast_in_dim3A_221, %broadcast_in_dim3A_237, %broadcast_in_dim3A_253, %broadcast_in_dim3A_269, %broadcast_in_dim3A_285, %broadcast_in_dim3A_301, %broadcast_in_dim3A_317, %broadcast_in_dim3A_333 in 1 : vector<80x1xi32>, vector<80x1xi32>, vector<80x1xi32>, vector<80x1xi32>, vector<80x1xi32>, vector<80x1xi32>, vector<80x1xi32>, vector<80x1xi32>, vector<80x1xi32>, vector<80x1xi32>, vector<80x1xi32>, vector<80x1xi32>, vector<80x1xi32>, vector<80x1xi32>, vector<80x1xi32>, vector<80x1xi32> -> vector<80x16xi32>
      scf.yield %concatenate3A_339, %concatenate3A_340 : vector<80x16xf32>, vector<80x16xi32>
    }
    %while3A_36 = arith.constant 1 : i32
    %while3A_37:2 = scf.for %while3A_40 = %while3A_33 to %while3A_29 step %while3A_36 iter_args(%while3A_41 = %while3A_35#0, %while3A_42 = %while3A_35#1) -> (vector<80x16xf32>, vector<80x16xi32>)  : i32 {
      %add3A_43 = arith.addi %get3A_23, %while3A_40 : i32
      %get3A_44 = arith.index_cast %add3A_43 : i32 to index
      %get3A_45 = arith.constant 0 : index
      %get3A_46 = vector.load %arg7[%get3A_44, %get3A_45] : memref<20x512xf32, #tpu.memory_space<vmem>>, vector<1x512xf32>
      %get3A_47 = arith.index_cast %add3A_43 : i32 to index
      %get3A_48 = arith.constant 0 : index
      %get3A_49 = vector.load %arg8[%get3A_47, %get3A_48] : memref<20x512xf32, #tpu.memory_space<vmem>>, vector<1x512xf32>
      %get3A_50 = arith.index_cast %add3A_43 : i32 to index
      %get3A_51 = arith.constant 0 : index
      %get3A_52 = vector.load %arg9[%get3A_50, %get3A_51] : memref<20x512xf32, #tpu.memory_space<vmem>>, vector<1x512xf32>
      %get3A_53 = arith.index_cast %add3A_43 : i32 to index
      %get3A_54 = arith.constant 0 : index
      %get3A_55 = vector.load %arg10[%get3A_53, %get3A_54] : memref<20x512xi32, #tpu.memory_space<vmem>>, vector<1x512xi32>
      %get3A_56 = arith.index_cast %add3A_43 : i32 to index
      %get3A_57 = arith.constant 0 : index
      %get3A_58 = arith.constant 0 : index
      %get3A_59 = vector.load %arg12[%get3A_56, %get3A_57, %get3A_58] : memref<20x8x512xf32, #tpu.memory_space<vmem>>, vector<1x8x512xf32>
      %reshape3A = vector.shape_cast %get3A_59 : vector<1x8x512xf32> to vector<8x512xf32>
      %mul3A_60 = arith.mulf %get3A_46, %get3A_46 : vector<1x512xf32>
      %mul3A_61 = arith.mulf %get3A_49, %get3A_49 : vector<1x512xf32>
      %add3A_62 = arith.addf %mul3A_60, %mul3A_61 : vector<1x512xf32>
      %mul3A_63 = arith.mulf %get3A_52, %get3A_52 : vector<1x512xf32>
      %add3A_64 = arith.addf %add3A_62, %mul3A_63 : vector<1x512xf32>
      %dot_general3A = arith.constant dense<0.000000e+00> : vector<80x512xf32>
      %dot_general3A_65 = tpu.matmul %get3A_16, %reshape3A, %dot_general3A {dimension_numbers = #tpu.dot_dimension_numbers<[1], [0], [0], [1], [0, 0, 1, 1], [], []>, transpose_lhs_hint = false} : vector<80x8xf32>, vector<8x512xf32>, vector<80x512xf32> -> vector<80x512xf32>
      %add3A_66 = vector.broadcast %add3A_10 : vector<80x1xf32> to vector<80x512xf32>
      %add3A_67 = vector.broadcast %add3A_64 : vector<1x512xf32> to vector<80x512xf32>
      %add3A_68 = arith.addf %add3A_66, %add3A_67 : vector<80x512xf32>
      %mul3A_69 = arith.constant 2.000000e+00 : f32
      %mul3A_70 = vector.broadcast %mul3A_69 : f32 to vector<80x512xf32>
      %mul3A_71 = arith.mulf %mul3A_70, %dot_general3A_65 : vector<80x512xf32>
      %sub3A = arith.subf %add3A_68, %mul3A_71 : vector<80x512xf32>
      %mul3A_72 = arith.constant 512 : i32
      %mul3A_73 = arith.muli %add3A_43, %mul3A_72 : i32
      %add3A_74 = vector.broadcast %mul3A_73 : i32 to vector<1x512xi32>
      %add3A_75 = arith.addi %add3A_74, %iota3A_21 : vector<1x512xi32>
      %eq3A = vector.broadcast %get3A_13 : vector<80x1xi32> to vector<80x512xi32>
      %eq3A_76 = vector.broadcast %get3A_55 : vector<1x512xi32> to vector<80x512xi32>
      %eq3A_77 = arith.cmpi eq, %eq3A, %eq3A_76 : vector<80x512xi32>
      %ne3A = vector.broadcast %add3A_20 : vector<80x1xi32> to vector<80x512xi32>
      %ne3A_78 = vector.broadcast %add3A_75 : vector<1x512xi32> to vector<80x512xi32>
      %ne3A_79 = arith.cmpi ne, %ne3A, %ne3A_78 : vector<80x512xi32>
      %and3A = arith.andi %eq3A_77, %ne3A_79 : vector<80x512xi1>
      %jit3A = arith.constant 1.000000e+10 : f32
      %broadcast_in_dim3A_80 = vector.broadcast %jit3A : f32 to vector<80x512xf32>
      %select_n3A = arith.select %and3A, %sub3A, %broadcast_in_dim3A_80 : vector<80x512xi1>, vector<80x512xf32>
      %concatenate3A = tpu.concatenate %while3A_41, %select_n3A in 1 : vector<80x16xf32>, vector<80x512xf32> -> vector<80x528xf32>
      %broadcast_in_dim3A_81 = vector.shape_cast %add3A_75 : vector<1x512xi32> to vector<1x512xi32>
      %broadcast_in_dim3A_82 = vector.broadcast %broadcast_in_dim3A_81 : vector<1x512xi32> to vector<80x512xi32>
      %concatenate3A_83 = tpu.concatenate %while3A_42, %broadcast_in_dim3A_82 in 1 : vector<80x16xi32>, vector<80x512xi32> -> vector<80x528xi32>
      %reduce_min3A = arith.constant dense<0x7F800000> : vector<80xf32>
      %reduce_min3A_84 = vector.multi_reduction <minimumf>, %concatenate3A, %reduce_min3A [1] : vector<80x528xf32> to vector<80xf32>
      %broadcast_in_dim3A_85 = vector.shape_cast %reduce_min3A_84 : vector<80xf32> to vector<80x1xf32>
      %eq3A_86 = vector.broadcast %broadcast_in_dim3A_85 : vector<80x1xf32> to vector<80x528xf32>
      %eq3A_87 = arith.cmpf oeq, %concatenate3A, %eq3A_86 : vector<80x528xf32>
      %jit3A_88 = arith.constant 1073741824 : i32
      %broadcast_in_dim3A_89 = vector.broadcast %jit3A_88 : i32 to vector<80x528xi32>
      %select_n3A_90 = arith.select %eq3A_87, %concatenate3A_83, %broadcast_in_dim3A_89 : vector<80x528xi1>, vector<80x528xi32>
      %reduce_min3A_91 = arith.constant dense<2147483647> : vector<80xi32>
      %reduce_min3A_92 = vector.multi_reduction <minsi>, %select_n3A_90, %reduce_min3A_91 [1] : vector<80x528xi32> to vector<80xi32>
      %broadcast_in_dim3A_93 = vector.shape_cast %reduce_min3A_92 : vector<80xi32> to vector<80x1xi32>
      %eq3A_94 = vector.broadcast %broadcast_in_dim3A_93 : vector<80x1xi32> to vector<80x528xi32>
      %eq3A_95 = arith.cmpi eq, %concatenate3A_83, %eq3A_94 : vector<80x528xi32>
      %jit3A_96 = arith.constant 2.000000e+10 : f32
      %broadcast_in_dim3A_97 = vector.broadcast %jit3A_96 : f32 to vector<80x528xf32>
      %select_n3A_98 = arith.select %eq3A_95, %broadcast_in_dim3A_97, %concatenate3A : vector<80x528xi1>, vector<80x528xf32>
      %reduce_min3A_99 = arith.constant dense<0x7F800000> : vector<80xf32>
      %reduce_min3A_100 = vector.multi_reduction <minimumf>, %select_n3A_98, %reduce_min3A_99 [1] : vector<80x528xf32> to vector<80xf32>
      %broadcast_in_dim3A_101 = vector.shape_cast %reduce_min3A_100 : vector<80xf32> to vector<80x1xf32>
      %eq3A_102 = vector.broadcast %broadcast_in_dim3A_101 : vector<80x1xf32> to vector<80x528xf32>
      %eq3A_103 = arith.cmpf oeq, %select_n3A_98, %eq3A_102 : vector<80x528xf32>
      %jit3A_104 = arith.constant 1073741824 : i32
      %broadcast_in_dim3A_105 = vector.broadcast %jit3A_104 : i32 to vector<80x528xi32>
      %select_n3A_106 = arith.select %eq3A_103, %concatenate3A_83, %broadcast_in_dim3A_105 : vector<80x528xi1>, vector<80x528xi32>
      %reduce_min3A_107 = arith.constant dense<2147483647> : vector<80xi32>
      %reduce_min3A_108 = vector.multi_reduction <minsi>, %select_n3A_106, %reduce_min3A_107 [1] : vector<80x528xi32> to vector<80xi32>
      %broadcast_in_dim3A_109 = vector.shape_cast %reduce_min3A_108 : vector<80xi32> to vector<80x1xi32>
      %eq3A_110 = vector.broadcast %broadcast_in_dim3A_109 : vector<80x1xi32> to vector<80x528xi32>
      %eq3A_111 = arith.cmpi eq, %concatenate3A_83, %eq3A_110 : vector<80x528xi32>
      %jit3A_112 = arith.constant 2.000000e+10 : f32
      %broadcast_in_dim3A_113 = vector.broadcast %jit3A_112 : f32 to vector<80x528xf32>
      %select_n3A_114 = arith.select %eq3A_111, %broadcast_in_dim3A_113, %select_n3A_98 : vector<80x528xi1>, vector<80x528xf32>
      %reduce_min3A_115 = arith.constant dense<0x7F800000> : vector<80xf32>
      %reduce_min3A_116 = vector.multi_reduction <minimumf>, %select_n3A_114, %reduce_min3A_115 [1] : vector<80x528xf32> to vector<80xf32>
      %broadcast_in_dim3A_117 = vector.shape_cast %reduce_min3A_116 : vector<80xf32> to vector<80x1xf32>
      %eq3A_118 = vector.broadcast %broadcast_in_dim3A_117 : vector<80x1xf32> to vector<80x528xf32>
      %eq3A_119 = arith.cmpf oeq, %select_n3A_114, %eq3A_118 : vector<80x528xf32>
      %jit3A_120 = arith.constant 1073741824 : i32
      %broadcast_in_dim3A_121 = vector.broadcast %jit3A_120 : i32 to vector<80x528xi32>
      %select_n3A_122 = arith.select %eq3A_119, %concatenate3A_83, %broadcast_in_dim3A_121 : vector<80x528xi1>, vector<80x528xi32>
      %reduce_min3A_123 = arith.constant dense<2147483647> : vector<80xi32>
      %reduce_min3A_124 = vector.multi_reduction <minsi>, %select_n3A_122, %reduce_min3A_123 [1] : vector<80x528xi32> to vector<80xi32>
      %broadcast_in_dim3A_125 = vector.shape_cast %reduce_min3A_124 : vector<80xi32> to vector<80x1xi32>
      %eq3A_126 = vector.broadcast %broadcast_in_dim3A_125 : vector<80x1xi32> to vector<80x528xi32>
      %eq3A_127 = arith.cmpi eq, %concatenate3A_83, %eq3A_126 : vector<80x528xi32>
      %jit3A_128 = arith.constant 2.000000e+10 : f32
      %broadcast_in_dim3A_129 = vector.broadcast %jit3A_128 : f32 to vector<80x528xf32>
      %select_n3A_130 = arith.select %eq3A_127, %broadcast_in_dim3A_129, %select_n3A_114 : vector<80x528xi1>, vector<80x528xf32>
      %reduce_min3A_131 = arith.constant dense<0x7F800000> : vector<80xf32>
      %reduce_min3A_132 = vector.multi_reduction <minimumf>, %select_n3A_130, %reduce_min3A_131 [1] : vector<80x528xf32> to vector<80xf32>
      %broadcast_in_dim3A_133 = vector.shape_cast %reduce_min3A_132 : vector<80xf32> to vector<80x1xf32>
      %eq3A_134 = vector.broadcast %broadcast_in_dim3A_133 : vector<80x1xf32> to vector<80x528xf32>
      %eq3A_135 = arith.cmpf oeq, %select_n3A_130, %eq3A_134 : vector<80x528xf32>
      %jit3A_136 = arith.constant 1073741824 : i32
      %broadcast_in_dim3A_137 = vector.broadcast %jit3A_136 : i32 to vector<80x528xi32>
      %select_n3A_138 = arith.select %eq3A_135, %concatenate3A_83, %broadcast_in_dim3A_137 : vector<80x528xi1>, vector<80x528xi32>
      %reduce_min3A_139 = arith.constant dense<2147483647> : vector<80xi32>
      %reduce_min3A_140 = vector.multi_reduction <minsi>, %select_n3A_138, %reduce_min3A_139 [1] : vector<80x528xi32> to vector<80xi32>
      %broadcast_in_dim3A_141 = vector.shape_cast %reduce_min3A_140 : vector<80xi32> to vector<80x1xi32>
      %eq3A_142 = vector.broadcast %broadcast_in_dim3A_141 : vector<80x1xi32> to vector<80x528xi32>
      %eq3A_143 = arith.cmpi eq, %concatenate3A_83, %eq3A_142 : vector<80x528xi32>
      %jit3A_144 = arith.constant 2.000000e+10 : f32
      %broadcast_in_dim3A_145 = vector.broadcast %jit3A_144 : f32 to vector<80x528xf32>
      %select_n3A_146 = arith.select %eq3A_143, %broadcast_in_dim3A_145, %select_n3A_130 : vector<80x528xi1>, vector<80x528xf32>
      %reduce_min3A_147 = arith.constant dense<0x7F800000> : vector<80xf32>
      %reduce_min3A_148 = vector.multi_reduction <minimumf>, %select_n3A_146, %reduce_min3A_147 [1] : vector<80x528xf32> to vector<80xf32>
      %broadcast_in_dim3A_149 = vector.shape_cast %reduce_min3A_148 : vector<80xf32> to vector<80x1xf32>
      %eq3A_150 = vector.broadcast %broadcast_in_dim3A_149 : vector<80x1xf32> to vector<80x528xf32>
      %eq3A_151 = arith.cmpf oeq, %select_n3A_146, %eq3A_150 : vector<80x528xf32>
      %jit3A_152 = arith.constant 1073741824 : i32
      %broadcast_in_dim3A_153 = vector.broadcast %jit3A_152 : i32 to vector<80x528xi32>
      %select_n3A_154 = arith.select %eq3A_151, %concatenate3A_83, %broadcast_in_dim3A_153 : vector<80x528xi1>, vector<80x528xi32>
      %reduce_min3A_155 = arith.constant dense<2147483647> : vector<80xi32>
      %reduce_min3A_156 = vector.multi_reduction <minsi>, %select_n3A_154, %reduce_min3A_155 [1] : vector<80x528xi32> to vector<80xi32>
      %broadcast_in_dim3A_157 = vector.shape_cast %reduce_min3A_156 : vector<80xi32> to vector<80x1xi32>
      %eq3A_158 = vector.broadcast %broadcast_in_dim3A_157 : vector<80x1xi32> to vector<80x528xi32>
      %eq3A_159 = arith.cmpi eq, %concatenate3A_83, %eq3A_158 : vector<80x528xi32>
      %jit3A_160 = arith.constant 2.000000e+10 : f32
      %broadcast_in_dim3A_161 = vector.broadcast %jit3A_160 : f32 to vector<80x528xf32>
      %select_n3A_162 = arith.select %eq3A_159, %broadcast_in_dim3A_161, %select_n3A_146 : vector<80x528xi1>, vector<80x528xf32>
      %reduce_min3A_163 = arith.constant dense<0x7F800000> : vector<80xf32>
      %reduce_min3A_164 = vector.multi_reduction <minimumf>, %select_n3A_162, %reduce_min3A_163 [1] : vector<80x528xf32> to vector<80xf32>
      %broadcast_in_dim3A_165 = vector.shape_cast %reduce_min3A_164 : vector<80xf32> to vector<80x1xf32>
      %eq3A_166 = vector.broadcast %broadcast_in_dim3A_165 : vector<80x1xf32> to vector<80x528xf32>
      %eq3A_167 = arith.cmpf oeq, %select_n3A_162, %eq3A_166 : vector<80x528xf32>
      %jit3A_168 = arith.constant 1073741824 : i32
      %broadcast_in_dim3A_169 = vector.broadcast %jit3A_168 : i32 to vector<80x528xi32>
      %select_n3A_170 = arith.select %eq3A_167, %concatenate3A_83, %broadcast_in_dim3A_169 : vector<80x528xi1>, vector<80x528xi32>
      %reduce_min3A_171 = arith.constant dense<2147483647> : vector<80xi32>
      %reduce_min3A_172 = vector.multi_reduction <minsi>, %select_n3A_170, %reduce_min3A_171 [1] : vector<80x528xi32> to vector<80xi32>
      %broadcast_in_dim3A_173 = vector.shape_cast %reduce_min3A_172 : vector<80xi32> to vector<80x1xi32>
      %eq3A_174 = vector.broadcast %broadcast_in_dim3A_173 : vector<80x1xi32> to vector<80x528xi32>
      %eq3A_175 = arith.cmpi eq, %concatenate3A_83, %eq3A_174 : vector<80x528xi32>
      %jit3A_176 = arith.constant 2.000000e+10 : f32
      %broadcast_in_dim3A_177 = vector.broadcast %jit3A_176 : f32 to vector<80x528xf32>
      %select_n3A_178 = arith.select %eq3A_175, %broadcast_in_dim3A_177, %select_n3A_162 : vector<80x528xi1>, vector<80x528xf32>
      %reduce_min3A_179 = arith.constant dense<0x7F800000> : vector<80xf32>
      %reduce_min3A_180 = vector.multi_reduction <minimumf>, %select_n3A_178, %reduce_min3A_179 [1] : vector<80x528xf32> to vector<80xf32>
      %broadcast_in_dim3A_181 = vector.shape_cast %reduce_min3A_180 : vector<80xf32> to vector<80x1xf32>
      %eq3A_182 = vector.broadcast %broadcast_in_dim3A_181 : vector<80x1xf32> to vector<80x528xf32>
      %eq3A_183 = arith.cmpf oeq, %select_n3A_178, %eq3A_182 : vector<80x528xf32>
      %jit3A_184 = arith.constant 1073741824 : i32
      %broadcast_in_dim3A_185 = vector.broadcast %jit3A_184 : i32 to vector<80x528xi32>
      %select_n3A_186 = arith.select %eq3A_183, %concatenate3A_83, %broadcast_in_dim3A_185 : vector<80x528xi1>, vector<80x528xi32>
      %reduce_min3A_187 = arith.constant dense<2147483647> : vector<80xi32>
      %reduce_min3A_188 = vector.multi_reduction <minsi>, %select_n3A_186, %reduce_min3A_187 [1] : vector<80x528xi32> to vector<80xi32>
      %broadcast_in_dim3A_189 = vector.shape_cast %reduce_min3A_188 : vector<80xi32> to vector<80x1xi32>
      %eq3A_190 = vector.broadcast %broadcast_in_dim3A_189 : vector<80x1xi32> to vector<80x528xi32>
      %eq3A_191 = arith.cmpi eq, %concatenate3A_83, %eq3A_190 : vector<80x528xi32>
      %jit3A_192 = arith.constant 2.000000e+10 : f32
      %broadcast_in_dim3A_193 = vector.broadcast %jit3A_192 : f32 to vector<80x528xf32>
      %select_n3A_194 = arith.select %eq3A_191, %broadcast_in_dim3A_193, %select_n3A_178 : vector<80x528xi1>, vector<80x528xf32>
      %reduce_min3A_195 = arith.constant dense<0x7F800000> : vector<80xf32>
      %reduce_min3A_196 = vector.multi_reduction <minimumf>, %select_n3A_194, %reduce_min3A_195 [1] : vector<80x528xf32> to vector<80xf32>
      %broadcast_in_dim3A_197 = vector.shape_cast %reduce_min3A_196 : vector<80xf32> to vector<80x1xf32>
      %eq3A_198 = vector.broadcast %broadcast_in_dim3A_197 : vector<80x1xf32> to vector<80x528xf32>
      %eq3A_199 = arith.cmpf oeq, %select_n3A_194, %eq3A_198 : vector<80x528xf32>
      %jit3A_200 = arith.constant 1073741824 : i32
      %broadcast_in_dim3A_201 = vector.broadcast %jit3A_200 : i32 to vector<80x528xi32>
      %select_n3A_202 = arith.select %eq3A_199, %concatenate3A_83, %broadcast_in_dim3A_201 : vector<80x528xi1>, vector<80x528xi32>
      %reduce_min3A_203 = arith.constant dense<2147483647> : vector<80xi32>
      %reduce_min3A_204 = vector.multi_reduction <minsi>, %select_n3A_202, %reduce_min3A_203 [1] : vector<80x528xi32> to vector<80xi32>
      %broadcast_in_dim3A_205 = vector.shape_cast %reduce_min3A_204 : vector<80xi32> to vector<80x1xi32>
      %eq3A_206 = vector.broadcast %broadcast_in_dim3A_205 : vector<80x1xi32> to vector<80x528xi32>
      %eq3A_207 = arith.cmpi eq, %concatenate3A_83, %eq3A_206 : vector<80x528xi32>
      %jit3A_208 = arith.constant 2.000000e+10 : f32
      %broadcast_in_dim3A_209 = vector.broadcast %jit3A_208 : f32 to vector<80x528xf32>
      %select_n3A_210 = arith.select %eq3A_207, %broadcast_in_dim3A_209, %select_n3A_194 : vector<80x528xi1>, vector<80x528xf32>
      %reduce_min3A_211 = arith.constant dense<0x7F800000> : vector<80xf32>
      %reduce_min3A_212 = vector.multi_reduction <minimumf>, %select_n3A_210, %reduce_min3A_211 [1] : vector<80x528xf32> to vector<80xf32>
      %broadcast_in_dim3A_213 = vector.shape_cast %reduce_min3A_212 : vector<80xf32> to vector<80x1xf32>
      %eq3A_214 = vector.broadcast %broadcast_in_dim3A_213 : vector<80x1xf32> to vector<80x528xf32>
      %eq3A_215 = arith.cmpf oeq, %select_n3A_210, %eq3A_214 : vector<80x528xf32>
      %jit3A_216 = arith.constant 1073741824 : i32
      %broadcast_in_dim3A_217 = vector.broadcast %jit3A_216 : i32 to vector<80x528xi32>
      %select_n3A_218 = arith.select %eq3A_215, %concatenate3A_83, %broadcast_in_dim3A_217 : vector<80x528xi1>, vector<80x528xi32>
      %reduce_min3A_219 = arith.constant dense<2147483647> : vector<80xi32>
      %reduce_min3A_220 = vector.multi_reduction <minsi>, %select_n3A_218, %reduce_min3A_219 [1] : vector<80x528xi32> to vector<80xi32>
      %broadcast_in_dim3A_221 = vector.shape_cast %reduce_min3A_220 : vector<80xi32> to vector<80x1xi32>
      %eq3A_222 = vector.broadcast %broadcast_in_dim3A_221 : vector<80x1xi32> to vector<80x528xi32>
      %eq3A_223 = arith.cmpi eq, %concatenate3A_83, %eq3A_222 : vector<80x528xi32>
      %jit3A_224 = arith.constant 2.000000e+10 : f32
      %broadcast_in_dim3A_225 = vector.broadcast %jit3A_224 : f32 to vector<80x528xf32>
      %select_n3A_226 = arith.select %eq3A_223, %broadcast_in_dim3A_225, %select_n3A_210 : vector<80x528xi1>, vector<80x528xf32>
      %reduce_min3A_227 = arith.constant dense<0x7F800000> : vector<80xf32>
      %reduce_min3A_228 = vector.multi_reduction <minimumf>, %select_n3A_226, %reduce_min3A_227 [1] : vector<80x528xf32> to vector<80xf32>
      %broadcast_in_dim3A_229 = vector.shape_cast %reduce_min3A_228 : vector<80xf32> to vector<80x1xf32>
      %eq3A_230 = vector.broadcast %broadcast_in_dim3A_229 : vector<80x1xf32> to vector<80x528xf32>
      %eq3A_231 = arith.cmpf oeq, %select_n3A_226, %eq3A_230 : vector<80x528xf32>
      %jit3A_232 = arith.constant 1073741824 : i32
      %broadcast_in_dim3A_233 = vector.broadcast %jit3A_232 : i32 to vector<80x528xi32>
      %select_n3A_234 = arith.select %eq3A_231, %concatenate3A_83, %broadcast_in_dim3A_233 : vector<80x528xi1>, vector<80x528xi32>
      %reduce_min3A_235 = arith.constant dense<2147483647> : vector<80xi32>
      %reduce_min3A_236 = vector.multi_reduction <minsi>, %select_n3A_234, %reduce_min3A_235 [1] : vector<80x528xi32> to vector<80xi32>
      %broadcast_in_dim3A_237 = vector.shape_cast %reduce_min3A_236 : vector<80xi32> to vector<80x1xi32>
      %eq3A_238 = vector.broadcast %broadcast_in_dim3A_237 : vector<80x1xi32> to vector<80x528xi32>
      %eq3A_239 = arith.cmpi eq, %concatenate3A_83, %eq3A_238 : vector<80x528xi32>
      %jit3A_240 = arith.constant 2.000000e+10 : f32
      %broadcast_in_dim3A_241 = vector.broadcast %jit3A_240 : f32 to vector<80x528xf32>
      %select_n3A_242 = arith.select %eq3A_239, %broadcast_in_dim3A_241, %select_n3A_226 : vector<80x528xi1>, vector<80x528xf32>
      %reduce_min3A_243 = arith.constant dense<0x7F800000> : vector<80xf32>
      %reduce_min3A_244 = vector.multi_reduction <minimumf>, %select_n3A_242, %reduce_min3A_243 [1] : vector<80x528xf32> to vector<80xf32>
      %broadcast_in_dim3A_245 = vector.shape_cast %reduce_min3A_244 : vector<80xf32> to vector<80x1xf32>
      %eq3A_246 = vector.broadcast %broadcast_in_dim3A_245 : vector<80x1xf32> to vector<80x528xf32>
      %eq3A_247 = arith.cmpf oeq, %select_n3A_242, %eq3A_246 : vector<80x528xf32>
      %jit3A_248 = arith.constant 1073741824 : i32
      %broadcast_in_dim3A_249 = vector.broadcast %jit3A_248 : i32 to vector<80x528xi32>
      %select_n3A_250 = arith.select %eq3A_247, %concatenate3A_83, %broadcast_in_dim3A_249 : vector<80x528xi1>, vector<80x528xi32>
      %reduce_min3A_251 = arith.constant dense<2147483647> : vector<80xi32>
      %reduce_min3A_252 = vector.multi_reduction <minsi>, %select_n3A_250, %reduce_min3A_251 [1] : vector<80x528xi32> to vector<80xi32>
      %broadcast_in_dim3A_253 = vector.shape_cast %reduce_min3A_252 : vector<80xi32> to vector<80x1xi32>
      %eq3A_254 = vector.broadcast %broadcast_in_dim3A_253 : vector<80x1xi32> to vector<80x528xi32>
      %eq3A_255 = arith.cmpi eq, %concatenate3A_83, %eq3A_254 : vector<80x528xi32>
      %jit3A_256 = arith.constant 2.000000e+10 : f32
      %broadcast_in_dim3A_257 = vector.broadcast %jit3A_256 : f32 to vector<80x528xf32>
      %select_n3A_258 = arith.select %eq3A_255, %broadcast_in_dim3A_257, %select_n3A_242 : vector<80x528xi1>, vector<80x528xf32>
      %reduce_min3A_259 = arith.constant dense<0x7F800000> : vector<80xf32>
      %reduce_min3A_260 = vector.multi_reduction <minimumf>, %select_n3A_258, %reduce_min3A_259 [1] : vector<80x528xf32> to vector<80xf32>
      %broadcast_in_dim3A_261 = vector.shape_cast %reduce_min3A_260 : vector<80xf32> to vector<80x1xf32>
      %eq3A_262 = vector.broadcast %broadcast_in_dim3A_261 : vector<80x1xf32> to vector<80x528xf32>
      %eq3A_263 = arith.cmpf oeq, %select_n3A_258, %eq3A_262 : vector<80x528xf32>
      %jit3A_264 = arith.constant 1073741824 : i32
      %broadcast_in_dim3A_265 = vector.broadcast %jit3A_264 : i32 to vector<80x528xi32>
      %select_n3A_266 = arith.select %eq3A_263, %concatenate3A_83, %broadcast_in_dim3A_265 : vector<80x528xi1>, vector<80x528xi32>
      %reduce_min3A_267 = arith.constant dense<2147483647> : vector<80xi32>
      %reduce_min3A_268 = vector.multi_reduction <minsi>, %select_n3A_266, %reduce_min3A_267 [1] : vector<80x528xi32> to vector<80xi32>
      %broadcast_in_dim3A_269 = vector.shape_cast %reduce_min3A_268 : vector<80xi32> to vector<80x1xi32>
      %eq3A_270 = vector.broadcast %broadcast_in_dim3A_269 : vector<80x1xi32> to vector<80x528xi32>
      %eq3A_271 = arith.cmpi eq, %concatenate3A_83, %eq3A_270 : vector<80x528xi32>
      %jit3A_272 = arith.constant 2.000000e+10 : f32
      %broadcast_in_dim3A_273 = vector.broadcast %jit3A_272 : f32 to vector<80x528xf32>
      %select_n3A_274 = arith.select %eq3A_271, %broadcast_in_dim3A_273, %select_n3A_258 : vector<80x528xi1>, vector<80x528xf32>
      %reduce_min3A_275 = arith.constant dense<0x7F800000> : vector<80xf32>
      %reduce_min3A_276 = vector.multi_reduction <minimumf>, %select_n3A_274, %reduce_min3A_275 [1] : vector<80x528xf32> to vector<80xf32>
      %broadcast_in_dim3A_277 = vector.shape_cast %reduce_min3A_276 : vector<80xf32> to vector<80x1xf32>
      %eq3A_278 = vector.broadcast %broadcast_in_dim3A_277 : vector<80x1xf32> to vector<80x528xf32>
      %eq3A_279 = arith.cmpf oeq, %select_n3A_274, %eq3A_278 : vector<80x528xf32>
      %jit3A_280 = arith.constant 1073741824 : i32
      %broadcast_in_dim3A_281 = vector.broadcast %jit3A_280 : i32 to vector<80x528xi32>
      %select_n3A_282 = arith.select %eq3A_279, %concatenate3A_83, %broadcast_in_dim3A_281 : vector<80x528xi1>, vector<80x528xi32>
      %reduce_min3A_283 = arith.constant dense<2147483647> : vector<80xi32>
      %reduce_min3A_284 = vector.multi_reduction <minsi>, %select_n3A_282, %reduce_min3A_283 [1] : vector<80x528xi32> to vector<80xi32>
      %broadcast_in_dim3A_285 = vector.shape_cast %reduce_min3A_284 : vector<80xi32> to vector<80x1xi32>
      %eq3A_286 = vector.broadcast %broadcast_in_dim3A_285 : vector<80x1xi32> to vector<80x528xi32>
      %eq3A_287 = arith.cmpi eq, %concatenate3A_83, %eq3A_286 : vector<80x528xi32>
      %jit3A_288 = arith.constant 2.000000e+10 : f32
      %broadcast_in_dim3A_289 = vector.broadcast %jit3A_288 : f32 to vector<80x528xf32>
      %select_n3A_290 = arith.select %eq3A_287, %broadcast_in_dim3A_289, %select_n3A_274 : vector<80x528xi1>, vector<80x528xf32>
      %reduce_min3A_291 = arith.constant dense<0x7F800000> : vector<80xf32>
      %reduce_min3A_292 = vector.multi_reduction <minimumf>, %select_n3A_290, %reduce_min3A_291 [1] : vector<80x528xf32> to vector<80xf32>
      %broadcast_in_dim3A_293 = vector.shape_cast %reduce_min3A_292 : vector<80xf32> to vector<80x1xf32>
      %eq3A_294 = vector.broadcast %broadcast_in_dim3A_293 : vector<80x1xf32> to vector<80x528xf32>
      %eq3A_295 = arith.cmpf oeq, %select_n3A_290, %eq3A_294 : vector<80x528xf32>
      %jit3A_296 = arith.constant 1073741824 : i32
      %broadcast_in_dim3A_297 = vector.broadcast %jit3A_296 : i32 to vector<80x528xi32>
      %select_n3A_298 = arith.select %eq3A_295, %concatenate3A_83, %broadcast_in_dim3A_297 : vector<80x528xi1>, vector<80x528xi32>
      %reduce_min3A_299 = arith.constant dense<2147483647> : vector<80xi32>
      %reduce_min3A_300 = vector.multi_reduction <minsi>, %select_n3A_298, %reduce_min3A_299 [1] : vector<80x528xi32> to vector<80xi32>
      %broadcast_in_dim3A_301 = vector.shape_cast %reduce_min3A_300 : vector<80xi32> to vector<80x1xi32>
      %eq3A_302 = vector.broadcast %broadcast_in_dim3A_301 : vector<80x1xi32> to vector<80x528xi32>
      %eq3A_303 = arith.cmpi eq, %concatenate3A_83, %eq3A_302 : vector<80x528xi32>
      %jit3A_304 = arith.constant 2.000000e+10 : f32
      %broadcast_in_dim3A_305 = vector.broadcast %jit3A_304 : f32 to vector<80x528xf32>
      %select_n3A_306 = arith.select %eq3A_303, %broadcast_in_dim3A_305, %select_n3A_290 : vector<80x528xi1>, vector<80x528xf32>
      %reduce_min3A_307 = arith.constant dense<0x7F800000> : vector<80xf32>
      %reduce_min3A_308 = vector.multi_reduction <minimumf>, %select_n3A_306, %reduce_min3A_307 [1] : vector<80x528xf32> to vector<80xf32>
      %broadcast_in_dim3A_309 = vector.shape_cast %reduce_min3A_308 : vector<80xf32> to vector<80x1xf32>
      %eq3A_310 = vector.broadcast %broadcast_in_dim3A_309 : vector<80x1xf32> to vector<80x528xf32>
      %eq3A_311 = arith.cmpf oeq, %select_n3A_306, %eq3A_310 : vector<80x528xf32>
      %jit3A_312 = arith.constant 1073741824 : i32
      %broadcast_in_dim3A_313 = vector.broadcast %jit3A_312 : i32 to vector<80x528xi32>
      %select_n3A_314 = arith.select %eq3A_311, %concatenate3A_83, %broadcast_in_dim3A_313 : vector<80x528xi1>, vector<80x528xi32>
      %reduce_min3A_315 = arith.constant dense<2147483647> : vector<80xi32>
      %reduce_min3A_316 = vector.multi_reduction <minsi>, %select_n3A_314, %reduce_min3A_315 [1] : vector<80x528xi32> to vector<80xi32>
      %broadcast_in_dim3A_317 = vector.shape_cast %reduce_min3A_316 : vector<80xi32> to vector<80x1xi32>
      %eq3A_318 = vector.broadcast %broadcast_in_dim3A_317 : vector<80x1xi32> to vector<80x528xi32>
      %eq3A_319 = arith.cmpi eq, %concatenate3A_83, %eq3A_318 : vector<80x528xi32>
      %jit3A_320 = arith.constant 2.000000e+10 : f32
      %broadcast_in_dim3A_321 = vector.broadcast %jit3A_320 : f32 to vector<80x528xf32>
      %select_n3A_322 = arith.select %eq3A_319, %broadcast_in_dim3A_321, %select_n3A_306 : vector<80x528xi1>, vector<80x528xf32>
      %reduce_min3A_323 = arith.constant dense<0x7F800000> : vector<80xf32>
      %reduce_min3A_324 = vector.multi_reduction <minimumf>, %select_n3A_322, %reduce_min3A_323 [1] : vector<80x528xf32> to vector<80xf32>
      %broadcast_in_dim3A_325 = vector.shape_cast %reduce_min3A_324 : vector<80xf32> to vector<80x1xf32>
      %eq3A_326 = vector.broadcast %broadcast_in_dim3A_325 : vector<80x1xf32> to vector<80x528xf32>
      %eq3A_327 = arith.cmpf oeq, %select_n3A_322, %eq3A_326 : vector<80x528xf32>
      %jit3A_328 = arith.constant 1073741824 : i32
      %broadcast_in_dim3A_329 = vector.broadcast %jit3A_328 : i32 to vector<80x528xi32>
      %select_n3A_330 = arith.select %eq3A_327, %concatenate3A_83, %broadcast_in_dim3A_329 : vector<80x528xi1>, vector<80x528xi32>
      %reduce_min3A_331 = arith.constant dense<2147483647> : vector<80xi32>
      %reduce_min3A_332 = vector.multi_reduction <minsi>, %select_n3A_330, %reduce_min3A_331 [1] : vector<80x528xi32> to vector<80xi32>
      %broadcast_in_dim3A_333 = vector.shape_cast %reduce_min3A_332 : vector<80xi32> to vector<80x1xi32>
      %eq3A_334 = vector.broadcast %broadcast_in_dim3A_333 : vector<80x1xi32> to vector<80x528xi32>
      %eq3A_335 = arith.cmpi eq, %concatenate3A_83, %eq3A_334 : vector<80x528xi32>
      %jit3A_336 = arith.constant 2.000000e+10 : f32
      %broadcast_in_dim3A_337 = vector.broadcast %jit3A_336 : f32 to vector<80x528xf32>
      %select_n3A_338 = arith.select %eq3A_335, %broadcast_in_dim3A_337, %select_n3A_322 : vector<80x528xi1>, vector<80x528xf32>
      %concatenate3A_339 = tpu.concatenate %broadcast_in_dim3A_85, %broadcast_in_dim3A_101, %broadcast_in_dim3A_117, %broadcast_in_dim3A_133, %broadcast_in_dim3A_149, %broadcast_in_dim3A_165, %broadcast_in_dim3A_181, %broadcast_in_dim3A_197, %broadcast_in_dim3A_213, %broadcast_in_dim3A_229, %broadcast_in_dim3A_245, %broadcast_in_dim3A_261, %broadcast_in_dim3A_277, %broadcast_in_dim3A_293, %broadcast_in_dim3A_309, %broadcast_in_dim3A_325 in 1 : vector<80x1xf32>, vector<80x1xf32>, vector<80x1xf32>, vector<80x1xf32>, vector<80x1xf32>, vector<80x1xf32>, vector<80x1xf32>, vector<80x1xf32>, vector<80x1xf32>, vector<80x1xf32>, vector<80x1xf32>, vector<80x1xf32>, vector<80x1xf32>, vector<80x1xf32>, vector<80x1xf32>, vector<80x1xf32> -> vector<80x16xf32>
      %concatenate3A_340 = tpu.concatenate %broadcast_in_dim3A_93, %broadcast_in_dim3A_109, %broadcast_in_dim3A_125, %broadcast_in_dim3A_141, %broadcast_in_dim3A_157, %broadcast_in_dim3A_173, %broadcast_in_dim3A_189, %broadcast_in_dim3A_205, %broadcast_in_dim3A_221, %broadcast_in_dim3A_237, %broadcast_in_dim3A_253, %broadcast_in_dim3A_269, %broadcast_in_dim3A_285, %broadcast_in_dim3A_301, %broadcast_in_dim3A_317, %broadcast_in_dim3A_333 in 1 : vector<80x1xi32>, vector<80x1xi32>, vector<80x1xi32>, vector<80x1xi32>, vector<80x1xi32>, vector<80x1xi32>, vector<80x1xi32>, vector<80x1xi32>, vector<80x1xi32>, vector<80x1xi32>, vector<80x1xi32>, vector<80x1xi32>, vector<80x1xi32>, vector<80x1xi32>, vector<80x1xi32>, vector<80x1xi32> -> vector<80x16xi32>
      scf.yield %concatenate3A_339, %concatenate3A_340 : vector<80x16xf32>, vector<80x16xi32>
    }
    %swap3A = arith.constant 0 : index
    %swap3A_38 = arith.constant 0 : index
    %swap3A_39 = vector.load %arg13[%swap3A, %swap3A_38] : memref<80x16xi32, #tpu.memory_space<vmem>>, vector<80x16xi32>
    tpu.vector_store %arg13[%swap3A, %swap3A_38], %while3A_37#1 {strides = array<i32>} : memref<80x16xi32, #tpu.memory_space<vmem>>, vector<80x16xi32>,
    return
  }
  func.func @transform_0(%arg0: i32) -> i32 {
    %c0_i32 = arith.constant 0 : i32
    %c0_i32_0 = arith.constant 0 : i32
    return %c0_i32 : i32
  }
  func.func @transform_1(%arg0: i32) -> i32 {
    %c0_i32 = arith.constant 0 : i32
    %c0_i32_0 = arith.constant 0 : i32
    return %c0_i32 : i32
  }
  func.func @transform_2(%arg0: i32) -> (i32, i32) {
    %c0_i32 = arith.constant 0 : i32
    %c0_i32_0 = arith.constant 0 : i32
    return %arg0, %c0_i32 : i32, i32
  }
  func.func @transform_3(%arg0: i32) -> (i32, i32) {
    %c0_i32 = arith.constant 0 : i32
    %c0_i32_0 = arith.constant 0 : i32
    return %arg0, %c0_i32 : i32, i32
  }
  func.func @transform_4(%arg0: i32) -> (i32, i32) {
    %c0_i32 = arith.constant 0 : i32
    %c0_i32_0 = arith.constant 0 : i32
    return %arg0, %c0_i32 : i32, i32
  }
  func.func @transform_5(%arg0: i32) -> (i32, i32) {
    %c0_i32 = arith.constant 0 : i32
    %c0_i32_0 = arith.constant 0 : i32
    return %arg0, %c0_i32 : i32, i32
  }
  func.func @transform_6(%arg0: i32) -> (i32, i32) {
    %c0_i32 = arith.constant 0 : i32
    %c0_i32_0 = arith.constant 0 : i32
    %c0_i32_1 = arith.constant 0 : i32
    return %c0_i32, %c0_i32_0 : i32, i32
  }
  func.func @transform_7(%arg0: i32) -> (i32, i32) {
    %c0_i32 = arith.constant 0 : i32
    %c0_i32_0 = arith.constant 0 : i32
    %c0_i32_1 = arith.constant 0 : i32
    return %c0_i32, %c0_i32_0 : i32, i32
  }
  func.func @transform_8(%arg0: i32) -> (i32, i32) {
    %c0_i32 = arith.constant 0 : i32
    %c0_i32_0 = arith.constant 0 : i32
    %c0_i32_1 = arith.constant 0 : i32
    return %c0_i32, %c0_i32_0 : i32, i32
  }
  func.func @transform_9(%arg0: i32) -> (i32, i32) {
    %c0_i32 = arith.constant 0 : i32
    %c0_i32_0 = arith.constant 0 : i32
    %c0_i32_1 = arith.constant 0 : i32
    return %c0_i32, %c0_i32_0 : i32, i32
  }
  func.func @transform_10(%arg0: i32) -> (i32, i32) {
    %c0_i32 = arith.constant 0 : i32
    %c0_i32_0 = arith.constant 0 : i32
    return %arg0, %c0_i32 : i32, i32
  }
  func.func @transform_11(%arg0: i32) -> (i32, i32, i32) {
    %c0_i32 = arith.constant 0 : i32
    %c0_i32_0 = arith.constant 0 : i32
    %c0_i32_1 = arith.constant 0 : i32
    %c0_i32_2 = arith.constant 0 : i32
    return %c0_i32, %c0_i32_0, %c0_i32_1 : i32, i32, i32
  }
  func.func @transform_12(%arg0: i32) -> (i32, i32) {
    %c0_i32 = arith.constant 0 : i32
    %c0_i32_0 = arith.constant 0 : i32
    return %arg0, %c0_i32 : i32, i32
  }
}

module attributes {stable_mosaic.version = 14 : i64} {
  func.func @_proj_body(%arg0: i32, %arg1: memref<200x128xf32, #tpu.memory_space<vmem>>, %arg2: memref<256x128xf32, #tpu.memory_space<vmem>>, %arg3: memref<1x128xf32, #tpu.memory_space<vmem>>, %arg4: memref<200x128xf32, #tpu.memory_space<vmem>>, %arg5: memref<200x128xf32, #tpu.memory_space<vmem>>) attributes {dimension_semantics = [#tpu.dimension_semantics<arbitrary>], iteration_bounds = array<i64: 50>, scalar_prefetch = 0 : i64, scratch_operands = 0 : i64, tpu.core_type = #tpu.core_type<tc>, window_params = [{transform_indices = @transform_0, window_bounds = array<i64: 200, 128>}, {pipeline_mode = #tpu.pipeline_mode<synchronous>, transform_indices = @transform_1, window_bounds = array<i64: 256, 128>}, {pipeline_mode = #tpu.pipeline_mode<synchronous>, transform_indices = @transform_2, window_bounds = array<i64: 1, 128>}, {transform_indices = @transform_3, window_bounds = array<i64: 200, 128>}, {transform_indices = @transform_4, window_bounds = array<i64: 200, 128>}]} {
    %get3A = arith.constant 0 : index
    %get3A_0 = arith.constant 0 : index
    %get3A_1 = vector.load %arg1[%get3A, %get3A_0] : memref<200x128xf32, #tpu.memory_space<vmem>>, vector<200x128xf32>
    %get3A_2 = arith.constant 0 : index
    %get3A_3 = arith.constant 0 : index
    %get3A_4 = vector.load %arg2[%get3A_2, %get3A_3] : memref<256x128xf32, #tpu.memory_space<vmem>>, vector<128x128xf32>
    %dot_general3A = arith.constant dense<0.000000e+00> : vector<200x128xf32>
    %dot_general3A_5 = tpu.matmul %get3A_1, %get3A_4, %dot_general3A {dimension_numbers = #tpu.dot_dimension_numbers<[1], [0], [0], [1], [0, 0, 1, 1], [], []>, transpose_lhs_hint = false} : vector<200x128xf32>, vector<128x128xf32>, vector<200x128xf32> -> vector<200x128xf32>
    %get3A_6 = arith.constant 0 : index
    %get3A_7 = arith.constant 0 : index
    %get3A_8 = vector.load %arg3[%get3A_6, %get3A_7] : memref<1x128xf32, #tpu.memory_space<vmem>>, vector<1x128xf32>
    %add3A = vector.broadcast %get3A_8 : vector<1x128xf32> to vector<200x128xf32>
    %add3A_9 = arith.addf %dot_general3A_5, %add3A : vector<200x128xf32>
    %swap3A = arith.constant 0 : index
    %swap3A_10 = arith.constant 0 : index
    %swap3A_11 = vector.load %arg4[%swap3A, %swap3A_10] : memref<200x128xf32, #tpu.memory_space<vmem>>, vector<200x128xf32>
    tpu.vector_store %arg4[%swap3A, %swap3A_10], %add3A_9 {strides = array<i32>} : memref<200x128xf32, #tpu.memory_space<vmem>>, vector<200x128xf32>,
    %get3A_12 = arith.constant 128 : index
    %get3A_13 = arith.constant 0 : index
    %get3A_14 = vector.load %arg2[%get3A_12, %get3A_13] : memref<256x128xf32, #tpu.memory_space<vmem>>, vector<128x128xf32>
    %dot_general3A_15 = arith.constant dense<0.000000e+00> : vector<200x128xf32>
    %dot_general3A_16 = tpu.matmul %get3A_1, %get3A_14, %dot_general3A_15 {dimension_numbers = #tpu.dot_dimension_numbers<[1], [0], [0], [1], [0, 0, 1, 1], [], []>, transpose_lhs_hint = false} : vector<200x128xf32>, vector<128x128xf32>, vector<200x128xf32> -> vector<200x128xf32>
    %swap3A_17 = arith.constant 0 : index
    %swap3A_18 = arith.constant 0 : index
    %swap3A_19 = vector.load %arg5[%swap3A_17, %swap3A_18] : memref<200x128xf32, #tpu.memory_space<vmem>>, vector<200x128xf32>
    tpu.vector_store %arg5[%swap3A_17, %swap3A_18], %dot_general3A_16 {strides = array<i32>} : memref<200x128xf32, #tpu.memory_space<vmem>>, vector<200x128xf32>,
    return
  }
  func.func @transform_0(%arg0: i32) -> (i32, i32) {
    %c0_i32 = arith.constant 0 : i32
    %c0_i32_0 = arith.constant 0 : i32
    return %arg0, %c0_i32 : i32, i32
  }
  func.func @transform_1(%arg0: i32) -> (i32, i32) {
    %c0_i32 = arith.constant 0 : i32
    %c0_i32_0 = arith.constant 0 : i32
    %c0_i32_1 = arith.constant 0 : i32
    return %c0_i32, %c0_i32_0 : i32, i32
  }
  func.func @transform_2(%arg0: i32) -> (i32, i32) {
    %c0_i32 = arith.constant 0 : i32
    %c0_i32_0 = arith.constant 0 : i32
    %c0_i32_1 = arith.constant 0 : i32
    return %c0_i32, %c0_i32_0 : i32, i32
  }
  func.func @transform_3(%arg0: i32) -> (i32, i32) {
    %c0_i32 = arith.constant 0 : i32
    %c0_i32_0 = arith.constant 0 : i32
    return %arg0, %c0_i32 : i32, i32
  }
  func.func @transform_4(%arg0: i32) -> (i32, i32) {
    %c0_i32 = arith.constant 0 : i32
    %c0_i32_0 = arith.constant 0 : i32
    return %arg0, %c0_i32 : i32, i32
  }
}

module attributes {stable_mosaic.version = 14 : i64} {
  func.func @_stats1_body(%arg0: i32, %arg1: memref<200x128xf32, #tpu.memory_space<vmem>>, %arg2: memref<200x16x128xf32, #tpu.memory_space<vmem>>, %arg3: memref<1x1x128xf32, #tpu.memory_space<vmem>>, %arg4: memref<1x1x128xf32, #tpu.memory_space<vmem>>) attributes {dimension_semantics = [#tpu.dimension_semantics<arbitrary>], iteration_bounds = array<i64: 50>, scalar_prefetch = 0 : i64, scratch_operands = 0 : i64, tpu.core_type = #tpu.core_type<tc>, window_params = [{transform_indices = @transform_0, window_bounds = array<i64: 200, 128>}, {transform_indices = @transform_1, window_bounds = array<i64: 200, 16, 128>}, {transform_indices = @transform_2, window_bounds = array<i64: 1, 1, 128>}, {transform_indices = @transform_3, window_bounds = array<i64: 1, 1, 128>}]} {
    %get3A = arith.constant 0 : index
    %get3A_0 = arith.constant 0 : index
    %get3A_1 = vector.load %arg1[%get3A, %get3A_0] : memref<200x128xf32, #tpu.memory_space<vmem>>, vector<200x128xf32>
    %broadcast_in_dim3A = arith.constant 0.000000e+00 : f32
    %broadcast_in_dim3A_2 = vector.broadcast %broadcast_in_dim3A : f32 to vector<1x128xf32>
    %broadcast_in_dim3A_3 = arith.constant 0.000000e+00 : f32
    %broadcast_in_dim3A_4 = vector.broadcast %broadcast_in_dim3A_3 : f32 to vector<1x128xf32>
    %get3A_5 = arith.constant 0 : index
    %get3A_6 = arith.constant 0 : index
    %get3A_7 = arith.constant 0 : index
    %get3A_8 = vector.load %arg2[%get3A_5, %get3A_6, %get3A_7] : memref<200x16x128xf32, #tpu.memory_space<vmem>>, vector<200x1x128xf32>
    %get3A_9 = vector.shape_cast %get3A_8 : vector<200x1x128xf32> to vector<200x128xf32>
    %add3A = arith.addf %get3A_1, %get3A_9 : vector<200x128xf32>
    %reduce_sum3A = arith.constant dense<0.000000e+00> : vector<128xf32>
    %reduce_sum3A_10 = vector.multi_reduction <add>, %add3A, %reduce_sum3A [0] : vector<200x128xf32> to vector<128xf32>
    %broadcast_in_dim3A_11 = vector.shape_cast %reduce_sum3A_10 : vector<128xf32> to vector<1x128xf32>
    %add3A_12 = arith.addf %broadcast_in_dim3A_2, %broadcast_in_dim3A_11 : vector<1x128xf32>
    %mul3A = arith.mulf %add3A, %add3A : vector<200x128xf32>
    %reduce_sum3A_13 = arith.constant dense<0.000000e+00> : vector<128xf32>
    %reduce_sum3A_14 = vector.multi_reduction <add>, %mul3A, %reduce_sum3A_13 [0] : vector<200x128xf32> to vector<128xf32>
    %broadcast_in_dim3A_15 = vector.shape_cast %reduce_sum3A_14 : vector<128xf32> to vector<1x128xf32>
    %add3A_16 = arith.addf %broadcast_in_dim3A_4, %broadcast_in_dim3A_15 : vector<1x128xf32>
    %get3A_17 = arith.constant 0 : index
    %get3A_18 = arith.constant 1 : index
    %get3A_19 = arith.constant 0 : index
    %get3A_20 = vector.load %arg2[%get3A_17, %get3A_18, %get3A_19] : memref<200x16x128xf32, #tpu.memory_space<vmem>>, vector<200x1x128xf32>
    %get3A_21 = vector.shape_cast %get3A_20 : vector<200x1x128xf32> to vector<200x128xf32>
    %add3A_22 = arith.addf %get3A_1, %get3A_21 : vector<200x128xf32>
    %reduce_sum3A_23 = arith.constant dense<0.000000e+00> : vector<128xf32>
    %reduce_sum3A_24 = vector.multi_reduction <add>, %add3A_22, %reduce_sum3A_23 [0] : vector<200x128xf32> to vector<128xf32>
    %broadcast_in_dim3A_25 = vector.shape_cast %reduce_sum3A_24 : vector<128xf32> to vector<1x128xf32>
    %add3A_26 = arith.addf %add3A_12, %broadcast_in_dim3A_25 : vector<1x128xf32>
    %mul3A_27 = arith.mulf %add3A_22, %add3A_22 : vector<200x128xf32>
    %reduce_sum3A_28 = arith.constant dense<0.000000e+00> : vector<128xf32>
    %reduce_sum3A_29 = vector.multi_reduction <add>, %mul3A_27, %reduce_sum3A_28 [0] : vector<200x128xf32> to vector<128xf32>
    %broadcast_in_dim3A_30 = vector.shape_cast %reduce_sum3A_29 : vector<128xf32> to vector<1x128xf32>
    %add3A_31 = arith.addf %add3A_16, %broadcast_in_dim3A_30 : vector<1x128xf32>
    %get3A_32 = arith.constant 0 : index
    %get3A_33 = arith.constant 2 : index
    %get3A_34 = arith.constant 0 : index
    %get3A_35 = vector.load %arg2[%get3A_32, %get3A_33, %get3A_34] : memref<200x16x128xf32, #tpu.memory_space<vmem>>, vector<200x1x128xf32>
    %get3A_36 = vector.shape_cast %get3A_35 : vector<200x1x128xf32> to vector<200x128xf32>
    %add3A_37 = arith.addf %get3A_1, %get3A_36 : vector<200x128xf32>
    %reduce_sum3A_38 = arith.constant dense<0.000000e+00> : vector<128xf32>
    %reduce_sum3A_39 = vector.multi_reduction <add>, %add3A_37, %reduce_sum3A_38 [0] : vector<200x128xf32> to vector<128xf32>
    %broadcast_in_dim3A_40 = vector.shape_cast %reduce_sum3A_39 : vector<128xf32> to vector<1x128xf32>
    %add3A_41 = arith.addf %add3A_26, %broadcast_in_dim3A_40 : vector<1x128xf32>
    %mul3A_42 = arith.mulf %add3A_37, %add3A_37 : vector<200x128xf32>
    %reduce_sum3A_43 = arith.constant dense<0.000000e+00> : vector<128xf32>
    %reduce_sum3A_44 = vector.multi_reduction <add>, %mul3A_42, %reduce_sum3A_43 [0] : vector<200x128xf32> to vector<128xf32>
    %broadcast_in_dim3A_45 = vector.shape_cast %reduce_sum3A_44 : vector<128xf32> to vector<1x128xf32>
    %add3A_46 = arith.addf %add3A_31, %broadcast_in_dim3A_45 : vector<1x128xf32>
    %get3A_47 = arith.constant 0 : index
    %get3A_48 = arith.constant 3 : index
    %get3A_49 = arith.constant 0 : index
    %get3A_50 = vector.load %arg2[%get3A_47, %get3A_48, %get3A_49] : memref<200x16x128xf32, #tpu.memory_space<vmem>>, vector<200x1x128xf32>
    %get3A_51 = vector.shape_cast %get3A_50 : vector<200x1x128xf32> to vector<200x128xf32>
    %add3A_52 = arith.addf %get3A_1, %get3A_51 : vector<200x128xf32>
    %reduce_sum3A_53 = arith.constant dense<0.000000e+00> : vector<128xf32>
    %reduce_sum3A_54 = vector.multi_reduction <add>, %add3A_52, %reduce_sum3A_53 [0] : vector<200x128xf32> to vector<128xf32>
    %broadcast_in_dim3A_55 = vector.shape_cast %reduce_sum3A_54 : vector<128xf32> to vector<1x128xf32>
    %add3A_56 = arith.addf %add3A_41, %broadcast_in_dim3A_55 : vector<1x128xf32>
    %mul3A_57 = arith.mulf %add3A_52, %add3A_52 : vector<200x128xf32>
    %reduce_sum3A_58 = arith.constant dense<0.000000e+00> : vector<128xf32>
    %reduce_sum3A_59 = vector.multi_reduction <add>, %mul3A_57, %reduce_sum3A_58 [0] : vector<200x128xf32> to vector<128xf32>
    %broadcast_in_dim3A_60 = vector.shape_cast %reduce_sum3A_59 : vector<128xf32> to vector<1x128xf32>
    %add3A_61 = arith.addf %add3A_46, %broadcast_in_dim3A_60 : vector<1x128xf32>
    %get3A_62 = arith.constant 0 : index
    %get3A_63 = arith.constant 4 : index
    %get3A_64 = arith.constant 0 : index
    %get3A_65 = vector.load %arg2[%get3A_62, %get3A_63, %get3A_64] : memref<200x16x128xf32, #tpu.memory_space<vmem>>, vector<200x1x128xf32>
    %get3A_66 = vector.shape_cast %get3A_65 : vector<200x1x128xf32> to vector<200x128xf32>
    %add3A_67 = arith.addf %get3A_1, %get3A_66 : vector<200x128xf32>
    %reduce_sum3A_68 = arith.constant dense<0.000000e+00> : vector<128xf32>
    %reduce_sum3A_69 = vector.multi_reduction <add>, %add3A_67, %reduce_sum3A_68 [0] : vector<200x128xf32> to vector<128xf32>
    %broadcast_in_dim3A_70 = vector.shape_cast %reduce_sum3A_69 : vector<128xf32> to vector<1x128xf32>
    %add3A_71 = arith.addf %add3A_56, %broadcast_in_dim3A_70 : vector<1x128xf32>
    %mul3A_72 = arith.mulf %add3A_67, %add3A_67 : vector<200x128xf32>
    %reduce_sum3A_73 = arith.constant dense<0.000000e+00> : vector<128xf32>
    %reduce_sum3A_74 = vector.multi_reduction <add>, %mul3A_72, %reduce_sum3A_73 [0] : vector<200x128xf32> to vector<128xf32>
    %broadcast_in_dim3A_75 = vector.shape_cast %reduce_sum3A_74 : vector<128xf32> to vector<1x128xf32>
    %add3A_76 = arith.addf %add3A_61, %broadcast_in_dim3A_75 : vector<1x128xf32>
    %get3A_77 = arith.constant 0 : index
    %get3A_78 = arith.constant 5 : index
    %get3A_79 = arith.constant 0 : index
    %get3A_80 = vector.load %arg2[%get3A_77, %get3A_78, %get3A_79] : memref<200x16x128xf32, #tpu.memory_space<vmem>>, vector<200x1x128xf32>
    %get3A_81 = vector.shape_cast %get3A_80 : vector<200x1x128xf32> to vector<200x128xf32>
    %add3A_82 = arith.addf %get3A_1, %get3A_81 : vector<200x128xf32>
    %reduce_sum3A_83 = arith.constant dense<0.000000e+00> : vector<128xf32>
    %reduce_sum3A_84 = vector.multi_reduction <add>, %add3A_82, %reduce_sum3A_83 [0] : vector<200x128xf32> to vector<128xf32>
    %broadcast_in_dim3A_85 = vector.shape_cast %reduce_sum3A_84 : vector<128xf32> to vector<1x128xf32>
    %add3A_86 = arith.addf %add3A_71, %broadcast_in_dim3A_85 : vector<1x128xf32>
    %mul3A_87 = arith.mulf %add3A_82, %add3A_82 : vector<200x128xf32>
    %reduce_sum3A_88 = arith.constant dense<0.000000e+00> : vector<128xf32>
    %reduce_sum3A_89 = vector.multi_reduction <add>, %mul3A_87, %reduce_sum3A_88 [0] : vector<200x128xf32> to vector<128xf32>
    %broadcast_in_dim3A_90 = vector.shape_cast %reduce_sum3A_89 : vector<128xf32> to vector<1x128xf32>
    %add3A_91 = arith.addf %add3A_76, %broadcast_in_dim3A_90 : vector<1x128xf32>
    %get3A_92 = arith.constant 0 : index
    %get3A_93 = arith.constant 6 : index
    %get3A_94 = arith.constant 0 : index
    %get3A_95 = vector.load %arg2[%get3A_92, %get3A_93, %get3A_94] : memref<200x16x128xf32, #tpu.memory_space<vmem>>, vector<200x1x128xf32>
    %get3A_96 = vector.shape_cast %get3A_95 : vector<200x1x128xf32> to vector<200x128xf32>
    %add3A_97 = arith.addf %get3A_1, %get3A_96 : vector<200x128xf32>
    %reduce_sum3A_98 = arith.constant dense<0.000000e+00> : vector<128xf32>
    %reduce_sum3A_99 = vector.multi_reduction <add>, %add3A_97, %reduce_sum3A_98 [0] : vector<200x128xf32> to vector<128xf32>
    %broadcast_in_dim3A_100 = vector.shape_cast %reduce_sum3A_99 : vector<128xf32> to vector<1x128xf32>
    %add3A_101 = arith.addf %add3A_86, %broadcast_in_dim3A_100 : vector<1x128xf32>
    %mul3A_102 = arith.mulf %add3A_97, %add3A_97 : vector<200x128xf32>
    %reduce_sum3A_103 = arith.constant dense<0.000000e+00> : vector<128xf32>
    %reduce_sum3A_104 = vector.multi_reduction <add>, %mul3A_102, %reduce_sum3A_103 [0] : vector<200x128xf32> to vector<128xf32>
    %broadcast_in_dim3A_105 = vector.shape_cast %reduce_sum3A_104 : vector<128xf32> to vector<1x128xf32>
    %add3A_106 = arith.addf %add3A_91, %broadcast_in_dim3A_105 : vector<1x128xf32>
    %get3A_107 = arith.constant 0 : index
    %get3A_108 = arith.constant 7 : index
    %get3A_109 = arith.constant 0 : index
    %get3A_110 = vector.load %arg2[%get3A_107, %get3A_108, %get3A_109] : memref<200x16x128xf32, #tpu.memory_space<vmem>>, vector<200x1x128xf32>
    %get3A_111 = vector.shape_cast %get3A_110 : vector<200x1x128xf32> to vector<200x128xf32>
    %add3A_112 = arith.addf %get3A_1, %get3A_111 : vector<200x128xf32>
    %reduce_sum3A_113 = arith.constant dense<0.000000e+00> : vector<128xf32>
    %reduce_sum3A_114 = vector.multi_reduction <add>, %add3A_112, %reduce_sum3A_113 [0] : vector<200x128xf32> to vector<128xf32>
    %broadcast_in_dim3A_115 = vector.shape_cast %reduce_sum3A_114 : vector<128xf32> to vector<1x128xf32>
    %add3A_116 = arith.addf %add3A_101, %broadcast_in_dim3A_115 : vector<1x128xf32>
    %mul3A_117 = arith.mulf %add3A_112, %add3A_112 : vector<200x128xf32>
    %reduce_sum3A_118 = arith.constant dense<0.000000e+00> : vector<128xf32>
    %reduce_sum3A_119 = vector.multi_reduction <add>, %mul3A_117, %reduce_sum3A_118 [0] : vector<200x128xf32> to vector<128xf32>
    %broadcast_in_dim3A_120 = vector.shape_cast %reduce_sum3A_119 : vector<128xf32> to vector<1x128xf32>
    %add3A_121 = arith.addf %add3A_106, %broadcast_in_dim3A_120 : vector<1x128xf32>
    %get3A_122 = arith.constant 0 : index
    %get3A_123 = arith.constant 8 : index
    %get3A_124 = arith.constant 0 : index
    %get3A_125 = vector.load %arg2[%get3A_122, %get3A_123, %get3A_124] : memref<200x16x128xf32, #tpu.memory_space<vmem>>, vector<200x1x128xf32>
    %get3A_126 = vector.shape_cast %get3A_125 : vector<200x1x128xf32> to vector<200x128xf32>
    %add3A_127 = arith.addf %get3A_1, %get3A_126 : vector<200x128xf32>
    %reduce_sum3A_128 = arith.constant dense<0.000000e+00> : vector<128xf32>
    %reduce_sum3A_129 = vector.multi_reduction <add>, %add3A_127, %reduce_sum3A_128 [0] : vector<200x128xf32> to vector<128xf32>
    %broadcast_in_dim3A_130 = vector.shape_cast %reduce_sum3A_129 : vector<128xf32> to vector<1x128xf32>
    %add3A_131 = arith.addf %add3A_116, %broadcast_in_dim3A_130 : vector<1x128xf32>
    %mul3A_132 = arith.mulf %add3A_127, %add3A_127 : vector<200x128xf32>
    %reduce_sum3A_133 = arith.constant dense<0.000000e+00> : vector<128xf32>
    %reduce_sum3A_134 = vector.multi_reduction <add>, %mul3A_132, %reduce_sum3A_133 [0] : vector<200x128xf32> to vector<128xf32>
    %broadcast_in_dim3A_135 = vector.shape_cast %reduce_sum3A_134 : vector<128xf32> to vector<1x128xf32>
    %add3A_136 = arith.addf %add3A_121, %broadcast_in_dim3A_135 : vector<1x128xf32>
    %get3A_137 = arith.constant 0 : index
    %get3A_138 = arith.constant 9 : index
    %get3A_139 = arith.constant 0 : index
    %get3A_140 = vector.load %arg2[%get3A_137, %get3A_138, %get3A_139] : memref<200x16x128xf32, #tpu.memory_space<vmem>>, vector<200x1x128xf32>
    %get3A_141 = vector.shape_cast %get3A_140 : vector<200x1x128xf32> to vector<200x128xf32>
    %add3A_142 = arith.addf %get3A_1, %get3A_141 : vector<200x128xf32>
    %reduce_sum3A_143 = arith.constant dense<0.000000e+00> : vector<128xf32>
    %reduce_sum3A_144 = vector.multi_reduction <add>, %add3A_142, %reduce_sum3A_143 [0] : vector<200x128xf32> to vector<128xf32>
    %broadcast_in_dim3A_145 = vector.shape_cast %reduce_sum3A_144 : vector<128xf32> to vector<1x128xf32>
    %add3A_146 = arith.addf %add3A_131, %broadcast_in_dim3A_145 : vector<1x128xf32>
    %mul3A_147 = arith.mulf %add3A_142, %add3A_142 : vector<200x128xf32>
    %reduce_sum3A_148 = arith.constant dense<0.000000e+00> : vector<128xf32>
    %reduce_sum3A_149 = vector.multi_reduction <add>, %mul3A_147, %reduce_sum3A_148 [0] : vector<200x128xf32> to vector<128xf32>
    %broadcast_in_dim3A_150 = vector.shape_cast %reduce_sum3A_149 : vector<128xf32> to vector<1x128xf32>
    %add3A_151 = arith.addf %add3A_136, %broadcast_in_dim3A_150 : vector<1x128xf32>
    %get3A_152 = arith.constant 0 : index
    %get3A_153 = arith.constant 10 : index
    %get3A_154 = arith.constant 0 : index
    %get3A_155 = vector.load %arg2[%get3A_152, %get3A_153, %get3A_154] : memref<200x16x128xf32, #tpu.memory_space<vmem>>, vector<200x1x128xf32>
    %get3A_156 = vector.shape_cast %get3A_155 : vector<200x1x128xf32> to vector<200x128xf32>
    %add3A_157 = arith.addf %get3A_1, %get3A_156 : vector<200x128xf32>
    %reduce_sum3A_158 = arith.constant dense<0.000000e+00> : vector<128xf32>
    %reduce_sum3A_159 = vector.multi_reduction <add>, %add3A_157, %reduce_sum3A_158 [0] : vector<200x128xf32> to vector<128xf32>
    %broadcast_in_dim3A_160 = vector.shape_cast %reduce_sum3A_159 : vector<128xf32> to vector<1x128xf32>
    %add3A_161 = arith.addf %add3A_146, %broadcast_in_dim3A_160 : vector<1x128xf32>
    %mul3A_162 = arith.mulf %add3A_157, %add3A_157 : vector<200x128xf32>
    %reduce_sum3A_163 = arith.constant dense<0.000000e+00> : vector<128xf32>
    %reduce_sum3A_164 = vector.multi_reduction <add>, %mul3A_162, %reduce_sum3A_163 [0] : vector<200x128xf32> to vector<128xf32>
    %broadcast_in_dim3A_165 = vector.shape_cast %reduce_sum3A_164 : vector<128xf32> to vector<1x128xf32>
    %add3A_166 = arith.addf %add3A_151, %broadcast_in_dim3A_165 : vector<1x128xf32>
    %get3A_167 = arith.constant 0 : index
    %get3A_168 = arith.constant 11 : index
    %get3A_169 = arith.constant 0 : index
    %get3A_170 = vector.load %arg2[%get3A_167, %get3A_168, %get3A_169] : memref<200x16x128xf32, #tpu.memory_space<vmem>>, vector<200x1x128xf32>
    %get3A_171 = vector.shape_cast %get3A_170 : vector<200x1x128xf32> to vector<200x128xf32>
    %add3A_172 = arith.addf %get3A_1, %get3A_171 : vector<200x128xf32>
    %reduce_sum3A_173 = arith.constant dense<0.000000e+00> : vector<128xf32>
    %reduce_sum3A_174 = vector.multi_reduction <add>, %add3A_172, %reduce_sum3A_173 [0] : vector<200x128xf32> to vector<128xf32>
    %broadcast_in_dim3A_175 = vector.shape_cast %reduce_sum3A_174 : vector<128xf32> to vector<1x128xf32>
    %add3A_176 = arith.addf %add3A_161, %broadcast_in_dim3A_175 : vector<1x128xf32>
    %mul3A_177 = arith.mulf %add3A_172, %add3A_172 : vector<200x128xf32>
    %reduce_sum3A_178 = arith.constant dense<0.000000e+00> : vector<128xf32>
    %reduce_sum3A_179 = vector.multi_reduction <add>, %mul3A_177, %reduce_sum3A_178 [0] : vector<200x128xf32> to vector<128xf32>
    %broadcast_in_dim3A_180 = vector.shape_cast %reduce_sum3A_179 : vector<128xf32> to vector<1x128xf32>
    %add3A_181 = arith.addf %add3A_166, %broadcast_in_dim3A_180 : vector<1x128xf32>
    %get3A_182 = arith.constant 0 : index
    %get3A_183 = arith.constant 12 : index
    %get3A_184 = arith.constant 0 : index
    %get3A_185 = vector.load %arg2[%get3A_182, %get3A_183, %get3A_184] : memref<200x16x128xf32, #tpu.memory_space<vmem>>, vector<200x1x128xf32>
    %get3A_186 = vector.shape_cast %get3A_185 : vector<200x1x128xf32> to vector<200x128xf32>
    %add3A_187 = arith.addf %get3A_1, %get3A_186 : vector<200x128xf32>
    %reduce_sum3A_188 = arith.constant dense<0.000000e+00> : vector<128xf32>
    %reduce_sum3A_189 = vector.multi_reduction <add>, %add3A_187, %reduce_sum3A_188 [0] : vector<200x128xf32> to vector<128xf32>
    %broadcast_in_dim3A_190 = vector.shape_cast %reduce_sum3A_189 : vector<128xf32> to vector<1x128xf32>
    %add3A_191 = arith.addf %add3A_176, %broadcast_in_dim3A_190 : vector<1x128xf32>
    %mul3A_192 = arith.mulf %add3A_187, %add3A_187 : vector<200x128xf32>
    %reduce_sum3A_193 = arith.constant dense<0.000000e+00> : vector<128xf32>
    %reduce_sum3A_194 = vector.multi_reduction <add>, %mul3A_192, %reduce_sum3A_193 [0] : vector<200x128xf32> to vector<128xf32>
    %broadcast_in_dim3A_195 = vector.shape_cast %reduce_sum3A_194 : vector<128xf32> to vector<1x128xf32>
    %add3A_196 = arith.addf %add3A_181, %broadcast_in_dim3A_195 : vector<1x128xf32>
    %get3A_197 = arith.constant 0 : index
    %get3A_198 = arith.constant 13 : index
    %get3A_199 = arith.constant 0 : index
    %get3A_200 = vector.load %arg2[%get3A_197, %get3A_198, %get3A_199] : memref<200x16x128xf32, #tpu.memory_space<vmem>>, vector<200x1x128xf32>
    %get3A_201 = vector.shape_cast %get3A_200 : vector<200x1x128xf32> to vector<200x128xf32>
    %add3A_202 = arith.addf %get3A_1, %get3A_201 : vector<200x128xf32>
    %reduce_sum3A_203 = arith.constant dense<0.000000e+00> : vector<128xf32>
    %reduce_sum3A_204 = vector.multi_reduction <add>, %add3A_202, %reduce_sum3A_203 [0] : vector<200x128xf32> to vector<128xf32>
    %broadcast_in_dim3A_205 = vector.shape_cast %reduce_sum3A_204 : vector<128xf32> to vector<1x128xf32>
    %add3A_206 = arith.addf %add3A_191, %broadcast_in_dim3A_205 : vector<1x128xf32>
    %mul3A_207 = arith.mulf %add3A_202, %add3A_202 : vector<200x128xf32>
    %reduce_sum3A_208 = arith.constant dense<0.000000e+00> : vector<128xf32>
    %reduce_sum3A_209 = vector.multi_reduction <add>, %mul3A_207, %reduce_sum3A_208 [0] : vector<200x128xf32> to vector<128xf32>
    %broadcast_in_dim3A_210 = vector.shape_cast %reduce_sum3A_209 : vector<128xf32> to vector<1x128xf32>
    %add3A_211 = arith.addf %add3A_196, %broadcast_in_dim3A_210 : vector<1x128xf32>
    %get3A_212 = arith.constant 0 : index
    %get3A_213 = arith.constant 14 : index
    %get3A_214 = arith.constant 0 : index
    %get3A_215 = vector.load %arg2[%get3A_212, %get3A_213, %get3A_214] : memref<200x16x128xf32, #tpu.memory_space<vmem>>, vector<200x1x128xf32>
    %get3A_216 = vector.shape_cast %get3A_215 : vector<200x1x128xf32> to vector<200x128xf32>
    %add3A_217 = arith.addf %get3A_1, %get3A_216 : vector<200x128xf32>
    %reduce_sum3A_218 = arith.constant dense<0.000000e+00> : vector<128xf32>
    %reduce_sum3A_219 = vector.multi_reduction <add>, %add3A_217, %reduce_sum3A_218 [0] : vector<200x128xf32> to vector<128xf32>
    %broadcast_in_dim3A_220 = vector.shape_cast %reduce_sum3A_219 : vector<128xf32> to vector<1x128xf32>
    %add3A_221 = arith.addf %add3A_206, %broadcast_in_dim3A_220 : vector<1x128xf32>
    %mul3A_222 = arith.mulf %add3A_217, %add3A_217 : vector<200x128xf32>
    %reduce_sum3A_223 = arith.constant dense<0.000000e+00> : vector<128xf32>
    %reduce_sum3A_224 = vector.multi_reduction <add>, %mul3A_222, %reduce_sum3A_223 [0] : vector<200x128xf32> to vector<128xf32>
    %broadcast_in_dim3A_225 = vector.shape_cast %reduce_sum3A_224 : vector<128xf32> to vector<1x128xf32>
    %add3A_226 = arith.addf %add3A_211, %broadcast_in_dim3A_225 : vector<1x128xf32>
    %get3A_227 = arith.constant 0 : index
    %get3A_228 = arith.constant 15 : index
    %get3A_229 = arith.constant 0 : index
    %get3A_230 = vector.load %arg2[%get3A_227, %get3A_228, %get3A_229] : memref<200x16x128xf32, #tpu.memory_space<vmem>>, vector<200x1x128xf32>
    %get3A_231 = vector.shape_cast %get3A_230 : vector<200x1x128xf32> to vector<200x128xf32>
    %add3A_232 = arith.addf %get3A_1, %get3A_231 : vector<200x128xf32>
    %reduce_sum3A_233 = arith.constant dense<0.000000e+00> : vector<128xf32>
    %reduce_sum3A_234 = vector.multi_reduction <add>, %add3A_232, %reduce_sum3A_233 [0] : vector<200x128xf32> to vector<128xf32>
    %broadcast_in_dim3A_235 = vector.shape_cast %reduce_sum3A_234 : vector<128xf32> to vector<1x128xf32>
    %add3A_236 = arith.addf %add3A_221, %broadcast_in_dim3A_235 : vector<1x128xf32>
    %mul3A_237 = arith.mulf %add3A_232, %add3A_232 : vector<200x128xf32>
    %reduce_sum3A_238 = arith.constant dense<0.000000e+00> : vector<128xf32>
    %reduce_sum3A_239 = vector.multi_reduction <add>, %mul3A_237, %reduce_sum3A_238 [0] : vector<200x128xf32> to vector<128xf32>
    %broadcast_in_dim3A_240 = vector.shape_cast %reduce_sum3A_239 : vector<128xf32> to vector<1x128xf32>
    %add3A_241 = arith.addf %add3A_226, %broadcast_in_dim3A_240 : vector<1x128xf32>
    %swap3A = arith.constant 0 : index
    %swap3A_242 = arith.constant 0 : index
    %swap3A_243 = arith.constant 0 : index
    %swap3A_244 = vector.load %arg3[%swap3A, %swap3A_242, %swap3A_243] : memref<1x1x128xf32, #tpu.memory_space<vmem>>, vector<1x1x128xf32>
    %swap3A_245 = vector.shape_cast %swap3A_244 : vector<1x1x128xf32> to vector<1x128xf32>
    %swap3A_246 = vector.shape_cast %add3A_236 : vector<1x128xf32> to vector<1x1x128xf32>
    tpu.vector_store %arg3[%swap3A, %swap3A_242, %swap3A_243], %swap3A_246 {strides = array<i32>} : memref<1x1x128xf32, #tpu.memory_space<vmem>>, vector<1x1x128xf32>,
    %swap3A_247 = arith.constant 0 : index
    %swap3A_248 = arith.constant 0 : index
    %swap3A_249 = arith.constant 0 : index
    %swap3A_250 = vector.load %arg4[%swap3A_247, %swap3A_248, %swap3A_249] : memref<1x1x128xf32, #tpu.memory_space<vmem>>, vector<1x1x128xf32>
    %swap3A_251 = vector.shape_cast %swap3A_250 : vector<1x1x128xf32> to vector<1x128xf32>
    %swap3A_252 = vector.shape_cast %add3A_241 : vector<1x128xf32> to vector<1x1x128xf32>
    tpu.vector_store %arg4[%swap3A_247, %swap3A_248, %swap3A_249], %swap3A_252 {strides = array<i32>} : memref<1x1x128xf32, #tpu.memory_space<vmem>>, vector<1x1x128xf32>,
    return
  }
  func.func @transform_0(%arg0: i32) -> (i32, i32) {
    %c0_i32 = arith.constant 0 : i32
    %c0_i32_0 = arith.constant 0 : i32
    return %arg0, %c0_i32 : i32, i32
  }
  func.func @transform_1(%arg0: i32) -> (i32, i32, i32) {
    %c0_i32 = arith.constant 0 : i32
    %c0_i32_0 = arith.constant 0 : i32
    %c0_i32_1 = arith.constant 0 : i32
    return %arg0, %c0_i32, %c0_i32_0 : i32, i32, i32
  }
  func.func @transform_2(%arg0: i32) -> (i32, i32, i32) {
    %c0_i32 = arith.constant 0 : i32
    %c0_i32_0 = arith.constant 0 : i32
    %c0_i32_1 = arith.constant 0 : i32
    return %arg0, %c0_i32, %c0_i32_0 : i32, i32, i32
  }
  func.func @transform_3(%arg0: i32) -> (i32, i32, i32) {
    %c0_i32 = arith.constant 0 : i32
    %c0_i32_0 = arith.constant 0 : i32
    %c0_i32_1 = arith.constant 0 : i32
    return %arg0, %c0_i32, %c0_i32_0 : i32, i32, i32
  }
}

module attributes {stable_mosaic.version = 14 : i64} {
  func.func @_mlp2_body(%arg0: i32, %arg1: memref<200x128xf32, #tpu.memory_space<vmem>>, %arg2: memref<200x16x128xf32, #tpu.memory_space<vmem>>, %arg3: memref<1x128xf32, #tpu.memory_space<vmem>>, %arg4: memref<1x128xf32, #tpu.memory_space<vmem>>, %arg5: memref<128x128xf32, #tpu.memory_space<vmem>>, %arg6: memref<1x128xf32, #tpu.memory_space<vmem>>, %arg7: memref<200x128xf32, #tpu.memory_space<vmem>>, %arg8: memref<1x1x128xf32, #tpu.memory_space<vmem>>, %arg9: memref<1x1x128xf32, #tpu.memory_space<vmem>>) attributes {dimension_semantics = [#tpu.dimension_semantics<arbitrary>], iteration_bounds = array<i64: 50>, scalar_prefetch = 0 : i64, scratch_operands = 0 : i64, tpu.core_type = #tpu.core_type<tc>, window_params = [{transform_indices = @transform_0, window_bounds = array<i64: 200, 128>}, {transform_indices = @transform_1, window_bounds = array<i64: 200, 16, 128>}, {pipeline_mode = #tpu.pipeline_mode<synchronous>, transform_indices = @transform_2, window_bounds = array<i64: 1, 128>}, {pipeline_mode = #tpu.pipeline_mode<synchronous>, transform_indices = @transform_3, window_bounds = array<i64: 1, 128>}, {pipeline_mode = #tpu.pipeline_mode<synchronous>, transform_indices = @transform_4, window_bounds = array<i64: 128, 128>}, {pipeline_mode = #tpu.pipeline_mode<synchronous>, transform_indices = @transform_5, window_bounds = array<i64: 1, 128>}, {transform_indices = @transform_6, window_bounds = array<i64: 200, 128>}, {transform_indices = @transform_7, window_bounds = array<i64: 1, 1, 128>}, {transform_indices = @transform_8, window_bounds = array<i64: 1, 1, 128>}]} {
    %get3A = arith.constant 0 : index
    %get3A_0 = arith.constant 0 : index
    %get3A_1 = vector.load %arg1[%get3A, %get3A_0] : memref<200x128xf32, #tpu.memory_space<vmem>>, vector<200x128xf32>
    %get3A_2 = arith.constant 0 : index
    %get3A_3 = arith.constant 0 : index
    %get3A_4 = vector.load %arg3[%get3A_2, %get3A_3] : memref<1x128xf32, #tpu.memory_space<vmem>>, vector<1x128xf32>
    %get3A_5 = arith.constant 0 : index
    %get3A_6 = arith.constant 0 : index
    %get3A_7 = vector.load %arg4[%get3A_5, %get3A_6] : memref<1x128xf32, #tpu.memory_space<vmem>>, vector<1x128xf32>
    %get3A_8 = arith.constant 0 : index
    %get3A_9 = arith.constant 0 : index
    %get3A_10 = vector.load %arg5[%get3A_8, %get3A_9] : memref<128x128xf32, #tpu.memory_space<vmem>>, vector<128x128xf32>
    %get3A_11 = arith.constant 0 : index
    %get3A_12 = arith.constant 0 : index
    %get3A_13 = vector.load %arg6[%get3A_11, %get3A_12] : memref<1x128xf32, #tpu.memory_space<vmem>>, vector<1x128xf32>
    %broadcast_in_dim3A = arith.constant 0.000000e+00 : f32
    %broadcast_in_dim3A_14 = vector.broadcast %broadcast_in_dim3A : f32 to vector<1x128xf32>
    %broadcast_in_dim3A_15 = arith.constant 0.000000e+00 : f32
    %broadcast_in_dim3A_16 = vector.broadcast %broadcast_in_dim3A_15 : f32 to vector<1x128xf32>
    %broadcast_in_dim3A_17 = arith.constant -1.000000e+30 : f32
    %broadcast_in_dim3A_18 = vector.broadcast %broadcast_in_dim3A_17 : f32 to vector<200x128xf32>
    %get3A_19 = arith.constant 0 : index
    %get3A_20 = arith.constant 0 : index
    %get3A_21 = arith.constant 0 : index
    %get3A_22 = vector.load %arg2[%get3A_19, %get3A_20, %get3A_21] : memref<200x16x128xf32, #tpu.memory_space<vmem>>, vector<200x1x128xf32>
    %get3A_23 = vector.shape_cast %get3A_22 : vector<200x1x128xf32> to vector<200x128xf32>
    %add3A = arith.addf %get3A_1, %get3A_23 : vector<200x128xf32>
    %mul3A = vector.broadcast %get3A_4 : vector<1x128xf32> to vector<200x128xf32>
    %mul3A_24 = arith.mulf %add3A, %mul3A : vector<200x128xf32>
    %add3A_25 = vector.broadcast %get3A_7 : vector<1x128xf32> to vector<200x128xf32>
    %add3A_26 = arith.addf %mul3A_24, %add3A_25 : vector<200x128xf32>
    %max3A = arith.constant 0.000000e+00 : f32
    %max3A_27 = vector.broadcast %max3A : f32 to vector<200x128xf32>
    %max3A_28 = arith.maximumf %add3A_26, %max3A_27 : vector<200x128xf32>
    %dot_general3A = arith.constant dense<0.000000e+00> : vector<200x128xf32>
    %dot_general3A_29 = tpu.matmul %max3A_28, %get3A_10, %dot_general3A {dimension_numbers = #tpu.dot_dimension_numbers<[1], [0], [0], [1], [0, 0, 1, 1], [], []>, transpose_lhs_hint = false} : vector<200x128xf32>, vector<128x128xf32>, vector<200x128xf32> -> vector<200x128xf32>
    %add3A_30 = vector.broadcast %get3A_13 : vector<1x128xf32> to vector<200x128xf32>
    %add3A_31 = arith.addf %dot_general3A_29, %add3A_30 : vector<200x128xf32>
    %max3A_32 = arith.maximumf %broadcast_in_dim3A_18, %add3A_31 : vector<200x128xf32>
    %reduce_sum3A = arith.constant dense<0.000000e+00> : vector<128xf32>
    %reduce_sum3A_33 = vector.multi_reduction <add>, %add3A_31, %reduce_sum3A [0] : vector<200x128xf32> to vector<128xf32>
    %broadcast_in_dim3A_34 = vector.shape_cast %reduce_sum3A_33 : vector<128xf32> to vector<1x128xf32>
    %add3A_35 = arith.addf %broadcast_in_dim3A_14, %broadcast_in_dim3A_34 : vector<1x128xf32>
    %mul3A_36 = arith.mulf %add3A_31, %add3A_31 : vector<200x128xf32>
    %reduce_sum3A_37 = arith.constant dense<0.000000e+00> : vector<128xf32>
    %reduce_sum3A_38 = vector.multi_reduction <add>, %mul3A_36, %reduce_sum3A_37 [0] : vector<200x128xf32> to vector<128xf32>
    %broadcast_in_dim3A_39 = vector.shape_cast %reduce_sum3A_38 : vector<128xf32> to vector<1x128xf32>
    %add3A_40 = arith.addf %broadcast_in_dim3A_16, %broadcast_in_dim3A_39 : vector<1x128xf32>
    %get3A_41 = arith.constant 0 : index
    %get3A_42 = arith.constant 1 : index
    %get3A_43 = arith.constant 0 : index
    %get3A_44 = vector.load %arg2[%get3A_41, %get3A_42, %get3A_43] : memref<200x16x128xf32, #tpu.memory_space<vmem>>, vector<200x1x128xf32>
    %get3A_45 = vector.shape_cast %get3A_44 : vector<200x1x128xf32> to vector<200x128xf32>
    %add3A_46 = arith.addf %get3A_1, %get3A_45 : vector<200x128xf32>
    %mul3A_47 = vector.broadcast %get3A_4 : vector<1x128xf32> to vector<200x128xf32>
    %mul3A_48 = arith.mulf %add3A_46, %mul3A_47 : vector<200x128xf32>
    %add3A_49 = vector.broadcast %get3A_7 : vector<1x128xf32> to vector<200x128xf32>
    %add3A_50 = arith.addf %mul3A_48, %add3A_49 : vector<200x128xf32>
    %max3A_51 = arith.constant 0.000000e+00 : f32
    %max3A_52 = vector.broadcast %max3A_51 : f32 to vector<200x128xf32>
    %max3A_53 = arith.maximumf %add3A_50, %max3A_52 : vector<200x128xf32>
    %dot_general3A_54 = arith.constant dense<0.000000e+00> : vector<200x128xf32>
    %dot_general3A_55 = tpu.matmul %max3A_53, %get3A_10, %dot_general3A_54 {dimension_numbers = #tpu.dot_dimension_numbers<[1], [0], [0], [1], [0, 0, 1, 1], [], []>, transpose_lhs_hint = false} : vector<200x128xf32>, vector<128x128xf32>, vector<200x128xf32> -> vector<200x128xf32>
    %add3A_56 = vector.broadcast %get3A_13 : vector<1x128xf32> to vector<200x128xf32>
    %add3A_57 = arith.addf %dot_general3A_55, %add3A_56 : vector<200x128xf32>
    %max3A_58 = arith.maximumf %max3A_32, %add3A_57 : vector<200x128xf32>
    %reduce_sum3A_59 = arith.constant dense<0.000000e+00> : vector<128xf32>
    %reduce_sum3A_60 = vector.multi_reduction <add>, %add3A_57, %reduce_sum3A_59 [0] : vector<200x128xf32> to vector<128xf32>
    %broadcast_in_dim3A_61 = vector.shape_cast %reduce_sum3A_60 : vector<128xf32> to vector<1x128xf32>
    %add3A_62 = arith.addf %add3A_35, %broadcast_in_dim3A_61 : vector<1x128xf32>
    %mul3A_63 = arith.mulf %add3A_57, %add3A_57 : vector<200x128xf32>
    %reduce_sum3A_64 = arith.constant dense<0.000000e+00> : vector<128xf32>
    %reduce_sum3A_65 = vector.multi_reduction <add>, %mul3A_63, %reduce_sum3A_64 [0] : vector<200x128xf32> to vector<128xf32>
    %broadcast_in_dim3A_66 = vector.shape_cast %reduce_sum3A_65 : vector<128xf32> to vector<1x128xf32>
    %add3A_67 = arith.addf %add3A_40, %broadcast_in_dim3A_66 : vector<1x128xf32>
    %get3A_68 = arith.constant 0 : index
    %get3A_69 = arith.constant 2 : index
    %get3A_70 = arith.constant 0 : index
    %get3A_71 = vector.load %arg2[%get3A_68, %get3A_69, %get3A_70] : memref<200x16x128xf32, #tpu.memory_space<vmem>>, vector<200x1x128xf32>
    %get3A_72 = vector.shape_cast %get3A_71 : vector<200x1x128xf32> to vector<200x128xf32>
    %add3A_73 = arith.addf %get3A_1, %get3A_72 : vector<200x128xf32>
    %mul3A_74 = vector.broadcast %get3A_4 : vector<1x128xf32> to vector<200x128xf32>
    %mul3A_75 = arith.mulf %add3A_73, %mul3A_74 : vector<200x128xf32>
    %add3A_76 = vector.broadcast %get3A_7 : vector<1x128xf32> to vector<200x128xf32>
    %add3A_77 = arith.addf %mul3A_75, %add3A_76 : vector<200x128xf32>
    %max3A_78 = arith.constant 0.000000e+00 : f32
    %max3A_79 = vector.broadcast %max3A_78 : f32 to vector<200x128xf32>
    %max3A_80 = arith.maximumf %add3A_77, %max3A_79 : vector<200x128xf32>
    %dot_general3A_81 = arith.constant dense<0.000000e+00> : vector<200x128xf32>
    %dot_general3A_82 = tpu.matmul %max3A_80, %get3A_10, %dot_general3A_81 {dimension_numbers = #tpu.dot_dimension_numbers<[1], [0], [0], [1], [0, 0, 1, 1], [], []>, transpose_lhs_hint = false} : vector<200x128xf32>, vector<128x128xf32>, vector<200x128xf32> -> vector<200x128xf32>
    %add3A_83 = vector.broadcast %get3A_13 : vector<1x128xf32> to vector<200x128xf32>
    %add3A_84 = arith.addf %dot_general3A_82, %add3A_83 : vector<200x128xf32>
    %max3A_85 = arith.maximumf %max3A_58, %add3A_84 : vector<200x128xf32>
    %reduce_sum3A_86 = arith.constant dense<0.000000e+00> : vector<128xf32>
    %reduce_sum3A_87 = vector.multi_reduction <add>, %add3A_84, %reduce_sum3A_86 [0] : vector<200x128xf32> to vector<128xf32>
    %broadcast_in_dim3A_88 = vector.shape_cast %reduce_sum3A_87 : vector<128xf32> to vector<1x128xf32>
    %add3A_89 = arith.addf %add3A_62, %broadcast_in_dim3A_88 : vector<1x128xf32>
    %mul3A_90 = arith.mulf %add3A_84, %add3A_84 : vector<200x128xf32>
    %reduce_sum3A_91 = arith.constant dense<0.000000e+00> : vector<128xf32>
    %reduce_sum3A_92 = vector.multi_reduction <add>, %mul3A_90, %reduce_sum3A_91 [0] : vector<200x128xf32> to vector<128xf32>
    %broadcast_in_dim3A_93 = vector.shape_cast %reduce_sum3A_92 : vector<128xf32> to vector<1x128xf32>
    %add3A_94 = arith.addf %add3A_67, %broadcast_in_dim3A_93 : vector<1x128xf32>
    %get3A_95 = arith.constant 0 : index
    %get3A_96 = arith.constant 3 : index
    %get3A_97 = arith.constant 0 : index
    %get3A_98 = vector.load %arg2[%get3A_95, %get3A_96, %get3A_97] : memref<200x16x128xf32, #tpu.memory_space<vmem>>, vector<200x1x128xf32>
    %get3A_99 = vector.shape_cast %get3A_98 : vector<200x1x128xf32> to vector<200x128xf32>
    %add3A_100 = arith.addf %get3A_1, %get3A_99 : vector<200x128xf32>
    %mul3A_101 = vector.broadcast %get3A_4 : vector<1x128xf32> to vector<200x128xf32>
    %mul3A_102 = arith.mulf %add3A_100, %mul3A_101 : vector<200x128xf32>
    %add3A_103 = vector.broadcast %get3A_7 : vector<1x128xf32> to vector<200x128xf32>
    %add3A_104 = arith.addf %mul3A_102, %add3A_103 : vector<200x128xf32>
    %max3A_105 = arith.constant 0.000000e+00 : f32
    %max3A_106 = vector.broadcast %max3A_105 : f32 to vector<200x128xf32>
    %max3A_107 = arith.maximumf %add3A_104, %max3A_106 : vector<200x128xf32>
    %dot_general3A_108 = arith.constant dense<0.000000e+00> : vector<200x128xf32>
    %dot_general3A_109 = tpu.matmul %max3A_107, %get3A_10, %dot_general3A_108 {dimension_numbers = #tpu.dot_dimension_numbers<[1], [0], [0], [1], [0, 0, 1, 1], [], []>, transpose_lhs_hint = false} : vector<200x128xf32>, vector<128x128xf32>, vector<200x128xf32> -> vector<200x128xf32>
    %add3A_110 = vector.broadcast %get3A_13 : vector<1x128xf32> to vector<200x128xf32>
    %add3A_111 = arith.addf %dot_general3A_109, %add3A_110 : vector<200x128xf32>
    %max3A_112 = arith.maximumf %max3A_85, %add3A_111 : vector<200x128xf32>
    %reduce_sum3A_113 = arith.constant dense<0.000000e+00> : vector<128xf32>
    %reduce_sum3A_114 = vector.multi_reduction <add>, %add3A_111, %reduce_sum3A_113 [0] : vector<200x128xf32> to vector<128xf32>
    %broadcast_in_dim3A_115 = vector.shape_cast %reduce_sum3A_114 : vector<128xf32> to vector<1x128xf32>
    %add3A_116 = arith.addf %add3A_89, %broadcast_in_dim3A_115 : vector<1x128xf32>
    %mul3A_117 = arith.mulf %add3A_111, %add3A_111 : vector<200x128xf32>
    %reduce_sum3A_118 = arith.constant dense<0.000000e+00> : vector<128xf32>
    %reduce_sum3A_119 = vector.multi_reduction <add>, %mul3A_117, %reduce_sum3A_118 [0] : vector<200x128xf32> to vector<128xf32>
    %broadcast_in_dim3A_120 = vector.shape_cast %reduce_sum3A_119 : vector<128xf32> to vector<1x128xf32>
    %add3A_121 = arith.addf %add3A_94, %broadcast_in_dim3A_120 : vector<1x128xf32>
    %get3A_122 = arith.constant 0 : index
    %get3A_123 = arith.constant 4 : index
    %get3A_124 = arith.constant 0 : index
    %get3A_125 = vector.load %arg2[%get3A_122, %get3A_123, %get3A_124] : memref<200x16x128xf32, #tpu.memory_space<vmem>>, vector<200x1x128xf32>
    %get3A_126 = vector.shape_cast %get3A_125 : vector<200x1x128xf32> to vector<200x128xf32>
    %add3A_127 = arith.addf %get3A_1, %get3A_126 : vector<200x128xf32>
    %mul3A_128 = vector.broadcast %get3A_4 : vector<1x128xf32> to vector<200x128xf32>
    %mul3A_129 = arith.mulf %add3A_127, %mul3A_128 : vector<200x128xf32>
    %add3A_130 = vector.broadcast %get3A_7 : vector<1x128xf32> to vector<200x128xf32>
    %add3A_131 = arith.addf %mul3A_129, %add3A_130 : vector<200x128xf32>
    %max3A_132 = arith.constant 0.000000e+00 : f32
    %max3A_133 = vector.broadcast %max3A_132 : f32 to vector<200x128xf32>
    %max3A_134 = arith.maximumf %add3A_131, %max3A_133 : vector<200x128xf32>
    %dot_general3A_135 = arith.constant dense<0.000000e+00> : vector<200x128xf32>
    %dot_general3A_136 = tpu.matmul %max3A_134, %get3A_10, %dot_general3A_135 {dimension_numbers = #tpu.dot_dimension_numbers<[1], [0], [0], [1], [0, 0, 1, 1], [], []>, transpose_lhs_hint = false} : vector<200x128xf32>, vector<128x128xf32>, vector<200x128xf32> -> vector<200x128xf32>
    %add3A_137 = vector.broadcast %get3A_13 : vector<1x128xf32> to vector<200x128xf32>
    %add3A_138 = arith.addf %dot_general3A_136, %add3A_137 : vector<200x128xf32>
    %max3A_139 = arith.maximumf %max3A_112, %add3A_138 : vector<200x128xf32>
    %reduce_sum3A_140 = arith.constant dense<0.000000e+00> : vector<128xf32>
    %reduce_sum3A_141 = vector.multi_reduction <add>, %add3A_138, %reduce_sum3A_140 [0] : vector<200x128xf32> to vector<128xf32>
    %broadcast_in_dim3A_142 = vector.shape_cast %reduce_sum3A_141 : vector<128xf32> to vector<1x128xf32>
    %add3A_143 = arith.addf %add3A_116, %broadcast_in_dim3A_142 : vector<1x128xf32>
    %mul3A_144 = arith.mulf %add3A_138, %add3A_138 : vector<200x128xf32>
    %reduce_sum3A_145 = arith.constant dense<0.000000e+00> : vector<128xf32>
    %reduce_sum3A_146 = vector.multi_reduction <add>, %mul3A_144, %reduce_sum3A_145 [0] : vector<200x128xf32> to vector<128xf32>
    %broadcast_in_dim3A_147 = vector.shape_cast %reduce_sum3A_146 : vector<128xf32> to vector<1x128xf32>
    %add3A_148 = arith.addf %add3A_121, %broadcast_in_dim3A_147 : vector<1x128xf32>
    %get3A_149 = arith.constant 0 : index
    %get3A_150 = arith.constant 5 : index
    %get3A_151 = arith.constant 0 : index
    %get3A_152 = vector.load %arg2[%get3A_149, %get3A_150, %get3A_151] : memref<200x16x128xf32, #tpu.memory_space<vmem>>, vector<200x1x128xf32>
    %get3A_153 = vector.shape_cast %get3A_152 : vector<200x1x128xf32> to vector<200x128xf32>
    %add3A_154 = arith.addf %get3A_1, %get3A_153 : vector<200x128xf32>
    %mul3A_155 = vector.broadcast %get3A_4 : vector<1x128xf32> to vector<200x128xf32>
    %mul3A_156 = arith.mulf %add3A_154, %mul3A_155 : vector<200x128xf32>
    %add3A_157 = vector.broadcast %get3A_7 : vector<1x128xf32> to vector<200x128xf32>
    %add3A_158 = arith.addf %mul3A_156, %add3A_157 : vector<200x128xf32>
    %max3A_159 = arith.constant 0.000000e+00 : f32
    %max3A_160 = vector.broadcast %max3A_159 : f32 to vector<200x128xf32>
    %max3A_161 = arith.maximumf %add3A_158, %max3A_160 : vector<200x128xf32>
    %dot_general3A_162 = arith.constant dense<0.000000e+00> : vector<200x128xf32>
    %dot_general3A_163 = tpu.matmul %max3A_161, %get3A_10, %dot_general3A_162 {dimension_numbers = #tpu.dot_dimension_numbers<[1], [0], [0], [1], [0, 0, 1, 1], [], []>, transpose_lhs_hint = false} : vector<200x128xf32>, vector<128x128xf32>, vector<200x128xf32> -> vector<200x128xf32>
    %add3A_164 = vector.broadcast %get3A_13 : vector<1x128xf32> to vector<200x128xf32>
    %add3A_165 = arith.addf %dot_general3A_163, %add3A_164 : vector<200x128xf32>
    %max3A_166 = arith.maximumf %max3A_139, %add3A_165 : vector<200x128xf32>
    %reduce_sum3A_167 = arith.constant dense<0.000000e+00> : vector<128xf32>
    %reduce_sum3A_168 = vector.multi_reduction <add>, %add3A_165, %reduce_sum3A_167 [0] : vector<200x128xf32> to vector<128xf32>
    %broadcast_in_dim3A_169 = vector.shape_cast %reduce_sum3A_168 : vector<128xf32> to vector<1x128xf32>
    %add3A_170 = arith.addf %add3A_143, %broadcast_in_dim3A_169 : vector<1x128xf32>
    %mul3A_171 = arith.mulf %add3A_165, %add3A_165 : vector<200x128xf32>
    %reduce_sum3A_172 = arith.constant dense<0.000000e+00> : vector<128xf32>
    %reduce_sum3A_173 = vector.multi_reduction <add>, %mul3A_171, %reduce_sum3A_172 [0] : vector<200x128xf32> to vector<128xf32>
    %broadcast_in_dim3A_174 = vector.shape_cast %reduce_sum3A_173 : vector<128xf32> to vector<1x128xf32>
    %add3A_175 = arith.addf %add3A_148, %broadcast_in_dim3A_174 : vector<1x128xf32>
    %get3A_176 = arith.constant 0 : index
    %get3A_177 = arith.constant 6 : index
    %get3A_178 = arith.constant 0 : index
    %get3A_179 = vector.load %arg2[%get3A_176, %get3A_177, %get3A_178] : memref<200x16x128xf32, #tpu.memory_space<vmem>>, vector<200x1x128xf32>
    %get3A_180 = vector.shape_cast %get3A_179 : vector<200x1x128xf32> to vector<200x128xf32>
    %add3A_181 = arith.addf %get3A_1, %get3A_180 : vector<200x128xf32>
    %mul3A_182 = vector.broadcast %get3A_4 : vector<1x128xf32> to vector<200x128xf32>
    %mul3A_183 = arith.mulf %add3A_181, %mul3A_182 : vector<200x128xf32>
    %add3A_184 = vector.broadcast %get3A_7 : vector<1x128xf32> to vector<200x128xf32>
    %add3A_185 = arith.addf %mul3A_183, %add3A_184 : vector<200x128xf32>
    %max3A_186 = arith.constant 0.000000e+00 : f32
    %max3A_187 = vector.broadcast %max3A_186 : f32 to vector<200x128xf32>
    %max3A_188 = arith.maximumf %add3A_185, %max3A_187 : vector<200x128xf32>
    %dot_general3A_189 = arith.constant dense<0.000000e+00> : vector<200x128xf32>
    %dot_general3A_190 = tpu.matmul %max3A_188, %get3A_10, %dot_general3A_189 {dimension_numbers = #tpu.dot_dimension_numbers<[1], [0], [0], [1], [0, 0, 1, 1], [], []>, transpose_lhs_hint = false} : vector<200x128xf32>, vector<128x128xf32>, vector<200x128xf32> -> vector<200x128xf32>
    %add3A_191 = vector.broadcast %get3A_13 : vector<1x128xf32> to vector<200x128xf32>
    %add3A_192 = arith.addf %dot_general3A_190, %add3A_191 : vector<200x128xf32>
    %max3A_193 = arith.maximumf %max3A_166, %add3A_192 : vector<200x128xf32>
    %reduce_sum3A_194 = arith.constant dense<0.000000e+00> : vector<128xf32>
    %reduce_sum3A_195 = vector.multi_reduction <add>, %add3A_192, %reduce_sum3A_194 [0] : vector<200x128xf32> to vector<128xf32>
    %broadcast_in_dim3A_196 = vector.shape_cast %reduce_sum3A_195 : vector<128xf32> to vector<1x128xf32>
    %add3A_197 = arith.addf %add3A_170, %broadcast_in_dim3A_196 : vector<1x128xf32>
    %mul3A_198 = arith.mulf %add3A_192, %add3A_192 : vector<200x128xf32>
    %reduce_sum3A_199 = arith.constant dense<0.000000e+00> : vector<128xf32>
    %reduce_sum3A_200 = vector.multi_reduction <add>, %mul3A_198, %reduce_sum3A_199 [0] : vector<200x128xf32> to vector<128xf32>
    %broadcast_in_dim3A_201 = vector.shape_cast %reduce_sum3A_200 : vector<128xf32> to vector<1x128xf32>
    %add3A_202 = arith.addf %add3A_175, %broadcast_in_dim3A_201 : vector<1x128xf32>
    %get3A_203 = arith.constant 0 : index
    %get3A_204 = arith.constant 7 : index
    %get3A_205 = arith.constant 0 : index
    %get3A_206 = vector.load %arg2[%get3A_203, %get3A_204, %get3A_205] : memref<200x16x128xf32, #tpu.memory_space<vmem>>, vector<200x1x128xf32>
    %get3A_207 = vector.shape_cast %get3A_206 : vector<200x1x128xf32> to vector<200x128xf32>
    %add3A_208 = arith.addf %get3A_1, %get3A_207 : vector<200x128xf32>
    %mul3A_209 = vector.broadcast %get3A_4 : vector<1x128xf32> to vector<200x128xf32>
    %mul3A_210 = arith.mulf %add3A_208, %mul3A_209 : vector<200x128xf32>
    %add3A_211 = vector.broadcast %get3A_7 : vector<1x128xf32> to vector<200x128xf32>
    %add3A_212 = arith.addf %mul3A_210, %add3A_211 : vector<200x128xf32>
    %max3A_213 = arith.constant 0.000000e+00 : f32
    %max3A_214 = vector.broadcast %max3A_213 : f32 to vector<200x128xf32>
    %max3A_215 = arith.maximumf %add3A_212, %max3A_214 : vector<200x128xf32>
    %dot_general3A_216 = arith.constant dense<0.000000e+00> : vector<200x128xf32>
    %dot_general3A_217 = tpu.matmul %max3A_215, %get3A_10, %dot_general3A_216 {dimension_numbers = #tpu.dot_dimension_numbers<[1], [0], [0], [1], [0, 0, 1, 1], [], []>, transpose_lhs_hint = false} : vector<200x128xf32>, vector<128x128xf32>, vector<200x128xf32> -> vector<200x128xf32>
    %add3A_218 = vector.broadcast %get3A_13 : vector<1x128xf32> to vector<200x128xf32>
    %add3A_219 = arith.addf %dot_general3A_217, %add3A_218 : vector<200x128xf32>
    %max3A_220 = arith.maximumf %max3A_193, %add3A_219 : vector<200x128xf32>
    %reduce_sum3A_221 = arith.constant dense<0.000000e+00> : vector<128xf32>
    %reduce_sum3A_222 = vector.multi_reduction <add>, %add3A_219, %reduce_sum3A_221 [0] : vector<200x128xf32> to vector<128xf32>
    %broadcast_in_dim3A_223 = vector.shape_cast %reduce_sum3A_222 : vector<128xf32> to vector<1x128xf32>
    %add3A_224 = arith.addf %add3A_197, %broadcast_in_dim3A_223 : vector<1x128xf32>
    %mul3A_225 = arith.mulf %add3A_219, %add3A_219 : vector<200x128xf32>
    %reduce_sum3A_226 = arith.constant dense<0.000000e+00> : vector<128xf32>
    %reduce_sum3A_227 = vector.multi_reduction <add>, %mul3A_225, %reduce_sum3A_226 [0] : vector<200x128xf32> to vector<128xf32>
    %broadcast_in_dim3A_228 = vector.shape_cast %reduce_sum3A_227 : vector<128xf32> to vector<1x128xf32>
    %add3A_229 = arith.addf %add3A_202, %broadcast_in_dim3A_228 : vector<1x128xf32>
    %get3A_230 = arith.constant 0 : index
    %get3A_231 = arith.constant 8 : index
    %get3A_232 = arith.constant 0 : index
    %get3A_233 = vector.load %arg2[%get3A_230, %get3A_231, %get3A_232] : memref<200x16x128xf32, #tpu.memory_space<vmem>>, vector<200x1x128xf32>
    %get3A_234 = vector.shape_cast %get3A_233 : vector<200x1x128xf32> to vector<200x128xf32>
    %add3A_235 = arith.addf %get3A_1, %get3A_234 : vector<200x128xf32>
    %mul3A_236 = vector.broadcast %get3A_4 : vector<1x128xf32> to vector<200x128xf32>
    %mul3A_237 = arith.mulf %add3A_235, %mul3A_236 : vector<200x128xf32>
    %add3A_238 = vector.broadcast %get3A_7 : vector<1x128xf32> to vector<200x128xf32>
    %add3A_239 = arith.addf %mul3A_237, %add3A_238 : vector<200x128xf32>
    %max3A_240 = arith.constant 0.000000e+00 : f32
    %max3A_241 = vector.broadcast %max3A_240 : f32 to vector<200x128xf32>
    %max3A_242 = arith.maximumf %add3A_239, %max3A_241 : vector<200x128xf32>
    %dot_general3A_243 = arith.constant dense<0.000000e+00> : vector<200x128xf32>
    %dot_general3A_244 = tpu.matmul %max3A_242, %get3A_10, %dot_general3A_243 {dimension_numbers = #tpu.dot_dimension_numbers<[1], [0], [0], [1], [0, 0, 1, 1], [], []>, transpose_lhs_hint = false} : vector<200x128xf32>, vector<128x128xf32>, vector<200x128xf32> -> vector<200x128xf32>
    %add3A_245 = vector.broadcast %get3A_13 : vector<1x128xf32> to vector<200x128xf32>
    %add3A_246 = arith.addf %dot_general3A_244, %add3A_245 : vector<200x128xf32>
    %max3A_247 = arith.maximumf %max3A_220, %add3A_246 : vector<200x128xf32>
    %reduce_sum3A_248 = arith.constant dense<0.000000e+00> : vector<128xf32>
    %reduce_sum3A_249 = vector.multi_reduction <add>, %add3A_246, %reduce_sum3A_248 [0] : vector<200x128xf32> to vector<128xf32>
    %broadcast_in_dim3A_250 = vector.shape_cast %reduce_sum3A_249 : vector<128xf32> to vector<1x128xf32>
    %add3A_251 = arith.addf %add3A_224, %broadcast_in_dim3A_250 : vector<1x128xf32>
    %mul3A_252 = arith.mulf %add3A_246, %add3A_246 : vector<200x128xf32>
    %reduce_sum3A_253 = arith.constant dense<0.000000e+00> : vector<128xf32>
    %reduce_sum3A_254 = vector.multi_reduction <add>, %mul3A_252, %reduce_sum3A_253 [0] : vector<200x128xf32> to vector<128xf32>
    %broadcast_in_dim3A_255 = vector.shape_cast %reduce_sum3A_254 : vector<128xf32> to vector<1x128xf32>
    %add3A_256 = arith.addf %add3A_229, %broadcast_in_dim3A_255 : vector<1x128xf32>
    %get3A_257 = arith.constant 0 : index
    %get3A_258 = arith.constant 9 : index
    %get3A_259 = arith.constant 0 : index
    %get3A_260 = vector.load %arg2[%get3A_257, %get3A_258, %get3A_259] : memref<200x16x128xf32, #tpu.memory_space<vmem>>, vector<200x1x128xf32>
    %get3A_261 = vector.shape_cast %get3A_260 : vector<200x1x128xf32> to vector<200x128xf32>
    %add3A_262 = arith.addf %get3A_1, %get3A_261 : vector<200x128xf32>
    %mul3A_263 = vector.broadcast %get3A_4 : vector<1x128xf32> to vector<200x128xf32>
    %mul3A_264 = arith.mulf %add3A_262, %mul3A_263 : vector<200x128xf32>
    %add3A_265 = vector.broadcast %get3A_7 : vector<1x128xf32> to vector<200x128xf32>
    %add3A_266 = arith.addf %mul3A_264, %add3A_265 : vector<200x128xf32>
    %max3A_267 = arith.constant 0.000000e+00 : f32
    %max3A_268 = vector.broadcast %max3A_267 : f32 to vector<200x128xf32>
    %max3A_269 = arith.maximumf %add3A_266, %max3A_268 : vector<200x128xf32>
    %dot_general3A_270 = arith.constant dense<0.000000e+00> : vector<200x128xf32>
    %dot_general3A_271 = tpu.matmul %max3A_269, %get3A_10, %dot_general3A_270 {dimension_numbers = #tpu.dot_dimension_numbers<[1], [0], [0], [1], [0, 0, 1, 1], [], []>, transpose_lhs_hint = false} : vector<200x128xf32>, vector<128x128xf32>, vector<200x128xf32> -> vector<200x128xf32>
    %add3A_272 = vector.broadcast %get3A_13 : vector<1x128xf32> to vector<200x128xf32>
    %add3A_273 = arith.addf %dot_general3A_271, %add3A_272 : vector<200x128xf32>
    %max3A_274 = arith.maximumf %max3A_247, %add3A_273 : vector<200x128xf32>
    %reduce_sum3A_275 = arith.constant dense<0.000000e+00> : vector<128xf32>
    %reduce_sum3A_276 = vector.multi_reduction <add>, %add3A_273, %reduce_sum3A_275 [0] : vector<200x128xf32> to vector<128xf32>
    %broadcast_in_dim3A_277 = vector.shape_cast %reduce_sum3A_276 : vector<128xf32> to vector<1x128xf32>
    %add3A_278 = arith.addf %add3A_251, %broadcast_in_dim3A_277 : vector<1x128xf32>
    %mul3A_279 = arith.mulf %add3A_273, %add3A_273 : vector<200x128xf32>
    %reduce_sum3A_280 = arith.constant dense<0.000000e+00> : vector<128xf32>
    %reduce_sum3A_281 = vector.multi_reduction <add>, %mul3A_279, %reduce_sum3A_280 [0] : vector<200x128xf32> to vector<128xf32>
    %broadcast_in_dim3A_282 = vector.shape_cast %reduce_sum3A_281 : vector<128xf32> to vector<1x128xf32>
    %add3A_283 = arith.addf %add3A_256, %broadcast_in_dim3A_282 : vector<1x128xf32>
    %get3A_284 = arith.constant 0 : index
    %get3A_285 = arith.constant 10 : index
    %get3A_286 = arith.constant 0 : index
    %get3A_287 = vector.load %arg2[%get3A_284, %get3A_285, %get3A_286] : memref<200x16x128xf32, #tpu.memory_space<vmem>>, vector<200x1x128xf32>
    %get3A_288 = vector.shape_cast %get3A_287 : vector<200x1x128xf32> to vector<200x128xf32>
    %add3A_289 = arith.addf %get3A_1, %get3A_288 : vector<200x128xf32>
    %mul3A_290 = vector.broadcast %get3A_4 : vector<1x128xf32> to vector<200x128xf32>
    %mul3A_291 = arith.mulf %add3A_289, %mul3A_290 : vector<200x128xf32>
    %add3A_292 = vector.broadcast %get3A_7 : vector<1x128xf32> to vector<200x128xf32>
    %add3A_293 = arith.addf %mul3A_291, %add3A_292 : vector<200x128xf32>
    %max3A_294 = arith.constant 0.000000e+00 : f32
    %max3A_295 = vector.broadcast %max3A_294 : f32 to vector<200x128xf32>
    %max3A_296 = arith.maximumf %add3A_293, %max3A_295 : vector<200x128xf32>
    %dot_general3A_297 = arith.constant dense<0.000000e+00> : vector<200x128xf32>
    %dot_general3A_298 = tpu.matmul %max3A_296, %get3A_10, %dot_general3A_297 {dimension_numbers = #tpu.dot_dimension_numbers<[1], [0], [0], [1], [0, 0, 1, 1], [], []>, transpose_lhs_hint = false} : vector<200x128xf32>, vector<128x128xf32>, vector<200x128xf32> -> vector<200x128xf32>
    %add3A_299 = vector.broadcast %get3A_13 : vector<1x128xf32> to vector<200x128xf32>
    %add3A_300 = arith.addf %dot_general3A_298, %add3A_299 : vector<200x128xf32>
    %max3A_301 = arith.maximumf %max3A_274, %add3A_300 : vector<200x128xf32>
    %reduce_sum3A_302 = arith.constant dense<0.000000e+00> : vector<128xf32>
    %reduce_sum3A_303 = vector.multi_reduction <add>, %add3A_300, %reduce_sum3A_302 [0] : vector<200x128xf32> to vector<128xf32>
    %broadcast_in_dim3A_304 = vector.shape_cast %reduce_sum3A_303 : vector<128xf32> to vector<1x128xf32>
    %add3A_305 = arith.addf %add3A_278, %broadcast_in_dim3A_304 : vector<1x128xf32>
    %mul3A_306 = arith.mulf %add3A_300, %add3A_300 : vector<200x128xf32>
    %reduce_sum3A_307 = arith.constant dense<0.000000e+00> : vector<128xf32>
    %reduce_sum3A_308 = vector.multi_reduction <add>, %mul3A_306, %reduce_sum3A_307 [0] : vector<200x128xf32> to vector<128xf32>
    %broadcast_in_dim3A_309 = vector.shape_cast %reduce_sum3A_308 : vector<128xf32> to vector<1x128xf32>
    %add3A_310 = arith.addf %add3A_283, %broadcast_in_dim3A_309 : vector<1x128xf32>
    %get3A_311 = arith.constant 0 : index
    %get3A_312 = arith.constant 11 : index
    %get3A_313 = arith.constant 0 : index
    %get3A_314 = vector.load %arg2[%get3A_311, %get3A_312, %get3A_313] : memref<200x16x128xf32, #tpu.memory_space<vmem>>, vector<200x1x128xf32>
    %get3A_315 = vector.shape_cast %get3A_314 : vector<200x1x128xf32> to vector<200x128xf32>
    %add3A_316 = arith.addf %get3A_1, %get3A_315 : vector<200x128xf32>
    %mul3A_317 = vector.broadcast %get3A_4 : vector<1x128xf32> to vector<200x128xf32>
    %mul3A_318 = arith.mulf %add3A_316, %mul3A_317 : vector<200x128xf32>
    %add3A_319 = vector.broadcast %get3A_7 : vector<1x128xf32> to vector<200x128xf32>
    %add3A_320 = arith.addf %mul3A_318, %add3A_319 : vector<200x128xf32>
    %max3A_321 = arith.constant 0.000000e+00 : f32
    %max3A_322 = vector.broadcast %max3A_321 : f32 to vector<200x128xf32>
    %max3A_323 = arith.maximumf %add3A_320, %max3A_322 : vector<200x128xf32>
    %dot_general3A_324 = arith.constant dense<0.000000e+00> : vector<200x128xf32>
    %dot_general3A_325 = tpu.matmul %max3A_323, %get3A_10, %dot_general3A_324 {dimension_numbers = #tpu.dot_dimension_numbers<[1], [0], [0], [1], [0, 0, 1, 1], [], []>, transpose_lhs_hint = false} : vector<200x128xf32>, vector<128x128xf32>, vector<200x128xf32> -> vector<200x128xf32>
    %add3A_326 = vector.broadcast %get3A_13 : vector<1x128xf32> to vector<200x128xf32>
    %add3A_327 = arith.addf %dot_general3A_325, %add3A_326 : vector<200x128xf32>
    %max3A_328 = arith.maximumf %max3A_301, %add3A_327 : vector<200x128xf32>
    %reduce_sum3A_329 = arith.constant dense<0.000000e+00> : vector<128xf32>
    %reduce_sum3A_330 = vector.multi_reduction <add>, %add3A_327, %reduce_sum3A_329 [0] : vector<200x128xf32> to vector<128xf32>
    %broadcast_in_dim3A_331 = vector.shape_cast %reduce_sum3A_330 : vector<128xf32> to vector<1x128xf32>
    %add3A_332 = arith.addf %add3A_305, %broadcast_in_dim3A_331 : vector<1x128xf32>
    %mul3A_333 = arith.mulf %add3A_327, %add3A_327 : vector<200x128xf32>
    %reduce_sum3A_334 = arith.constant dense<0.000000e+00> : vector<128xf32>
    %reduce_sum3A_335 = vector.multi_reduction <add>, %mul3A_333, %reduce_sum3A_334 [0] : vector<200x128xf32> to vector<128xf32>
    %broadcast_in_dim3A_336 = vector.shape_cast %reduce_sum3A_335 : vector<128xf32> to vector<1x128xf32>
    %add3A_337 = arith.addf %add3A_310, %broadcast_in_dim3A_336 : vector<1x128xf32>
    %get3A_338 = arith.constant 0 : index
    %get3A_339 = arith.constant 12 : index
    %get3A_340 = arith.constant 0 : index
    %get3A_341 = vector.load %arg2[%get3A_338, %get3A_339, %get3A_340] : memref<200x16x128xf32, #tpu.memory_space<vmem>>, vector<200x1x128xf32>
    %get3A_342 = vector.shape_cast %get3A_341 : vector<200x1x128xf32> to vector<200x128xf32>
    %add3A_343 = arith.addf %get3A_1, %get3A_342 : vector<200x128xf32>
    %mul3A_344 = vector.broadcast %get3A_4 : vector<1x128xf32> to vector<200x128xf32>
    %mul3A_345 = arith.mulf %add3A_343, %mul3A_344 : vector<200x128xf32>
    %add3A_346 = vector.broadcast %get3A_7 : vector<1x128xf32> to vector<200x128xf32>
    %add3A_347 = arith.addf %mul3A_345, %add3A_346 : vector<200x128xf32>
    %max3A_348 = arith.constant 0.000000e+00 : f32
    %max3A_349 = vector.broadcast %max3A_348 : f32 to vector<200x128xf32>
    %max3A_350 = arith.maximumf %add3A_347, %max3A_349 : vector<200x128xf32>
    %dot_general3A_351 = arith.constant dense<0.000000e+00> : vector<200x128xf32>
    %dot_general3A_352 = tpu.matmul %max3A_350, %get3A_10, %dot_general3A_351 {dimension_numbers = #tpu.dot_dimension_numbers<[1], [0], [0], [1], [0, 0, 1, 1], [], []>, transpose_lhs_hint = false} : vector<200x128xf32>, vector<128x128xf32>, vector<200x128xf32> -> vector<200x128xf32>
    %add3A_353 = vector.broadcast %get3A_13 : vector<1x128xf32> to vector<200x128xf32>
    %add3A_354 = arith.addf %dot_general3A_352, %add3A_353 : vector<200x128xf32>
    %max3A_355 = arith.maximumf %max3A_328, %add3A_354 : vector<200x128xf32>
    %reduce_sum3A_356 = arith.constant dense<0.000000e+00> : vector<128xf32>
    %reduce_sum3A_357 = vector.multi_reduction <add>, %add3A_354, %reduce_sum3A_356 [0] : vector<200x128xf32> to vector<128xf32>
    %broadcast_in_dim3A_358 = vector.shape_cast %reduce_sum3A_357 : vector<128xf32> to vector<1x128xf32>
    %add3A_359 = arith.addf %add3A_332, %broadcast_in_dim3A_358 : vector<1x128xf32>
    %mul3A_360 = arith.mulf %add3A_354, %add3A_354 : vector<200x128xf32>
    %reduce_sum3A_361 = arith.constant dense<0.000000e+00> : vector<128xf32>
    %reduce_sum3A_362 = vector.multi_reduction <add>, %mul3A_360, %reduce_sum3A_361 [0] : vector<200x128xf32> to vector<128xf32>
    %broadcast_in_dim3A_363 = vector.shape_cast %reduce_sum3A_362 : vector<128xf32> to vector<1x128xf32>
    %add3A_364 = arith.addf %add3A_337, %broadcast_in_dim3A_363 : vector<1x128xf32>
    %get3A_365 = arith.constant 0 : index
    %get3A_366 = arith.constant 13 : index
    %get3A_367 = arith.constant 0 : index
    %get3A_368 = vector.load %arg2[%get3A_365, %get3A_366, %get3A_367] : memref<200x16x128xf32, #tpu.memory_space<vmem>>, vector<200x1x128xf32>
    %get3A_369 = vector.shape_cast %get3A_368 : vector<200x1x128xf32> to vector<200x128xf32>
    %add3A_370 = arith.addf %get3A_1, %get3A_369 : vector<200x128xf32>
    %mul3A_371 = vector.broadcast %get3A_4 : vector<1x128xf32> to vector<200x128xf32>
    %mul3A_372 = arith.mulf %add3A_370, %mul3A_371 : vector<200x128xf32>
    %add3A_373 = vector.broadcast %get3A_7 : vector<1x128xf32> to vector<200x128xf32>
    %add3A_374 = arith.addf %mul3A_372, %add3A_373 : vector<200x128xf32>
    %max3A_375 = arith.constant 0.000000e+00 : f32
    %max3A_376 = vector.broadcast %max3A_375 : f32 to vector<200x128xf32>
    %max3A_377 = arith.maximumf %add3A_374, %max3A_376 : vector<200x128xf32>
    %dot_general3A_378 = arith.constant dense<0.000000e+00> : vector<200x128xf32>
    %dot_general3A_379 = tpu.matmul %max3A_377, %get3A_10, %dot_general3A_378 {dimension_numbers = #tpu.dot_dimension_numbers<[1], [0], [0], [1], [0, 0, 1, 1], [], []>, transpose_lhs_hint = false} : vector<200x128xf32>, vector<128x128xf32>, vector<200x128xf32> -> vector<200x128xf32>
    %add3A_380 = vector.broadcast %get3A_13 : vector<1x128xf32> to vector<200x128xf32>
    %add3A_381 = arith.addf %dot_general3A_379, %add3A_380 : vector<200x128xf32>
    %max3A_382 = arith.maximumf %max3A_355, %add3A_381 : vector<200x128xf32>
    %reduce_sum3A_383 = arith.constant dense<0.000000e+00> : vector<128xf32>
    %reduce_sum3A_384 = vector.multi_reduction <add>, %add3A_381, %reduce_sum3A_383 [0] : vector<200x128xf32> to vector<128xf32>
    %broadcast_in_dim3A_385 = vector.shape_cast %reduce_sum3A_384 : vector<128xf32> to vector<1x128xf32>
    %add3A_386 = arith.addf %add3A_359, %broadcast_in_dim3A_385 : vector<1x128xf32>
    %mul3A_387 = arith.mulf %add3A_381, %add3A_381 : vector<200x128xf32>
    %reduce_sum3A_388 = arith.constant dense<0.000000e+00> : vector<128xf32>
    %reduce_sum3A_389 = vector.multi_reduction <add>, %mul3A_387, %reduce_sum3A_388 [0] : vector<200x128xf32> to vector<128xf32>
    %broadcast_in_dim3A_390 = vector.shape_cast %reduce_sum3A_389 : vector<128xf32> to vector<1x128xf32>
    %add3A_391 = arith.addf %add3A_364, %broadcast_in_dim3A_390 : vector<1x128xf32>
    %get3A_392 = arith.constant 0 : index
    %get3A_393 = arith.constant 14 : index
    %get3A_394 = arith.constant 0 : index
    %get3A_395 = vector.load %arg2[%get3A_392, %get3A_393, %get3A_394] : memref<200x16x128xf32, #tpu.memory_space<vmem>>, vector<200x1x128xf32>
    %get3A_396 = vector.shape_cast %get3A_395 : vector<200x1x128xf32> to vector<200x128xf32>
    %add3A_397 = arith.addf %get3A_1, %get3A_396 : vector<200x128xf32>
    %mul3A_398 = vector.broadcast %get3A_4 : vector<1x128xf32> to vector<200x128xf32>
    %mul3A_399 = arith.mulf %add3A_397, %mul3A_398 : vector<200x128xf32>
    %add3A_400 = vector.broadcast %get3A_7 : vector<1x128xf32> to vector<200x128xf32>
    %add3A_401 = arith.addf %mul3A_399, %add3A_400 : vector<200x128xf32>
    %max3A_402 = arith.constant 0.000000e+00 : f32
    %max3A_403 = vector.broadcast %max3A_402 : f32 to vector<200x128xf32>
    %max3A_404 = arith.maximumf %add3A_401, %max3A_403 : vector<200x128xf32>
    %dot_general3A_405 = arith.constant dense<0.000000e+00> : vector<200x128xf32>
    %dot_general3A_406 = tpu.matmul %max3A_404, %get3A_10, %dot_general3A_405 {dimension_numbers = #tpu.dot_dimension_numbers<[1], [0], [0], [1], [0, 0, 1, 1], [], []>, transpose_lhs_hint = false} : vector<200x128xf32>, vector<128x128xf32>, vector<200x128xf32> -> vector<200x128xf32>
    %add3A_407 = vector.broadcast %get3A_13 : vector<1x128xf32> to vector<200x128xf32>
    %add3A_408 = arith.addf %dot_general3A_406, %add3A_407 : vector<200x128xf32>
    %max3A_409 = arith.maximumf %max3A_382, %add3A_408 : vector<200x128xf32>
    %reduce_sum3A_410 = arith.constant dense<0.000000e+00> : vector<128xf32>
    %reduce_sum3A_411 = vector.multi_reduction <add>, %add3A_408, %reduce_sum3A_410 [0] : vector<200x128xf32> to vector<128xf32>
    %broadcast_in_dim3A_412 = vector.shape_cast %reduce_sum3A_411 : vector<128xf32> to vector<1x128xf32>
    %add3A_413 = arith.addf %add3A_386, %broadcast_in_dim3A_412 : vector<1x128xf32>
    %mul3A_414 = arith.mulf %add3A_408, %add3A_408 : vector<200x128xf32>
    %reduce_sum3A_415 = arith.constant dense<0.000000e+00> : vector<128xf32>
    %reduce_sum3A_416 = vector.multi_reduction <add>, %mul3A_414, %reduce_sum3A_415 [0] : vector<200x128xf32> to vector<128xf32>
    %broadcast_in_dim3A_417 = vector.shape_cast %reduce_sum3A_416 : vector<128xf32> to vector<1x128xf32>
    %add3A_418 = arith.addf %add3A_391, %broadcast_in_dim3A_417 : vector<1x128xf32>
    %get3A_419 = arith.constant 0 : index
    %get3A_420 = arith.constant 15 : index
    %get3A_421 = arith.constant 0 : index
    %get3A_422 = vector.load %arg2[%get3A_419, %get3A_420, %get3A_421] : memref<200x16x128xf32, #tpu.memory_space<vmem>>, vector<200x1x128xf32>
    %get3A_423 = vector.shape_cast %get3A_422 : vector<200x1x128xf32> to vector<200x128xf32>
    %add3A_424 = arith.addf %get3A_1, %get3A_423 : vector<200x128xf32>
    %mul3A_425 = vector.broadcast %get3A_4 : vector<1x128xf32> to vector<200x128xf32>
    %mul3A_426 = arith.mulf %add3A_424, %mul3A_425 : vector<200x128xf32>
    %add3A_427 = vector.broadcast %get3A_7 : vector<1x128xf32> to vector<200x128xf32>
    %add3A_428 = arith.addf %mul3A_426, %add3A_427 : vector<200x128xf32>
    %max3A_429 = arith.constant 0.000000e+00 : f32
    %max3A_430 = vector.broadcast %max3A_429 : f32 to vector<200x128xf32>
    %max3A_431 = arith.maximumf %add3A_428, %max3A_430 : vector<200x128xf32>
    %dot_general3A_432 = arith.constant dense<0.000000e+00> : vector<200x128xf32>
    %dot_general3A_433 = tpu.matmul %max3A_431, %get3A_10, %dot_general3A_432 {dimension_numbers = #tpu.dot_dimension_numbers<[1], [0], [0], [1], [0, 0, 1, 1], [], []>, transpose_lhs_hint = false} : vector<200x128xf32>, vector<128x128xf32>, vector<200x128xf32> -> vector<200x128xf32>
    %add3A_434 = vector.broadcast %get3A_13 : vector<1x128xf32> to vector<200x128xf32>
    %add3A_435 = arith.addf %dot_general3A_433, %add3A_434 : vector<200x128xf32>
    %max3A_436 = arith.maximumf %max3A_409, %add3A_435 : vector<200x128xf32>
    %reduce_sum3A_437 = arith.constant dense<0.000000e+00> : vector<128xf32>
    %reduce_sum3A_438 = vector.multi_reduction <add>, %add3A_435, %reduce_sum3A_437 [0] : vector<200x128xf32> to vector<128xf32>
    %broadcast_in_dim3A_439 = vector.shape_cast %reduce_sum3A_438 : vector<128xf32> to vector<1x128xf32>
    %add3A_440 = arith.addf %add3A_413, %broadcast_in_dim3A_439 : vector<1x128xf32>
    %mul3A_441 = arith.mulf %add3A_435, %add3A_435 : vector<200x128xf32>
    %reduce_sum3A_442 = arith.constant dense<0.000000e+00> : vector<128xf32>
    %reduce_sum3A_443 = vector.multi_reduction <add>, %mul3A_441, %reduce_sum3A_442 [0] : vector<200x128xf32> to vector<128xf32>
    %broadcast_in_dim3A_444 = vector.shape_cast %reduce_sum3A_443 : vector<128xf32> to vector<1x128xf32>
    %add3A_445 = arith.addf %add3A_418, %broadcast_in_dim3A_444 : vector<1x128xf32>
    %swap3A = arith.constant 0 : index
    %swap3A_446 = arith.constant 0 : index
    %swap3A_447 = vector.load %arg7[%swap3A, %swap3A_446] : memref<200x128xf32, #tpu.memory_space<vmem>>, vector<200x128xf32>
    tpu.vector_store %arg7[%swap3A, %swap3A_446], %max3A_436 {strides = array<i32>} : memref<200x128xf32, #tpu.memory_space<vmem>>, vector<200x128xf32>,
    %swap3A_448 = arith.constant 0 : index
    %swap3A_449 = arith.constant 0 : index
    %swap3A_450 = arith.constant 0 : index
    %swap3A_451 = vector.load %arg8[%swap3A_448, %swap3A_449, %swap3A_450] : memref<1x1x128xf32, #tpu.memory_space<vmem>>, vector<1x1x128xf32>
    %swap3A_452 = vector.shape_cast %swap3A_451 : vector<1x1x128xf32> to vector<1x128xf32>
    %swap3A_453 = vector.shape_cast %add3A_440 : vector<1x128xf32> to vector<1x1x128xf32>
    tpu.vector_store %arg8[%swap3A_448, %swap3A_449, %swap3A_450], %swap3A_453 {strides = array<i32>} : memref<1x1x128xf32, #tpu.memory_space<vmem>>, vector<1x1x128xf32>,
    %swap3A_454 = arith.constant 0 : index
    %swap3A_455 = arith.constant 0 : index
    %swap3A_456 = arith.constant 0 : index
    %swap3A_457 = vector.load %arg9[%swap3A_454, %swap3A_455, %swap3A_456] : memref<1x1x128xf32, #tpu.memory_space<vmem>>, vector<1x1x128xf32>
    %swap3A_458 = vector.shape_cast %swap3A_457 : vector<1x1x128xf32> to vector<1x128xf32>
    %swap3A_459 = vector.shape_cast %add3A_445 : vector<1x128xf32> to vector<1x1x128xf32>
    tpu.vector_store %arg9[%swap3A_454, %swap3A_455, %swap3A_456], %swap3A_459 {strides = array<i32>} : memref<1x1x128xf32, #tpu.memory_space<vmem>>, vector<1x1x128xf32>,
    return
  }
  func.func @transform_0(%arg0: i32) -> (i32, i32) {
    %c0_i32 = arith.constant 0 : i32
    %c0_i32_0 = arith.constant 0 : i32
    return %arg0, %c0_i32 : i32, i32
  }
  func.func @transform_1(%arg0: i32) -> (i32, i32, i32) {
    %c0_i32 = arith.constant 0 : i32
    %c0_i32_0 = arith.constant 0 : i32
    %c0_i32_1 = arith.constant 0 : i32
    return %arg0, %c0_i32, %c0_i32_0 : i32, i32, i32
  }
  func.func @transform_2(%arg0: i32) -> (i32, i32) {
    %c0_i32 = arith.constant 0 : i32
    %c0_i32_0 = arith.constant 0 : i32
    %c0_i32_1 = arith.constant 0 : i32
    return %c0_i32, %c0_i32_0 : i32, i32
  }
  func.func @transform_3(%arg0: i32) -> (i32, i32) {
    %c0_i32 = arith.constant 0 : i32
    %c0_i32_0 = arith.constant 0 : i32
    %c0_i32_1 = arith.constant 0 : i32
    return %c0_i32, %c0_i32_0 : i32, i32
  }
  func.func @transform_4(%arg0: i32) -> (i32, i32) {
    %c0_i32 = arith.constant 0 : i32
    %c0_i32_0 = arith.constant 0 : i32
    %c0_i32_1 = arith.constant 0 : i32
    return %c0_i32, %c0_i32_0 : i32, i32
  }
  func.func @transform_5(%arg0: i32) -> (i32, i32) {
    %c0_i32 = arith.constant 0 : i32
    %c0_i32_0 = arith.constant 0 : i32
    %c0_i32_1 = arith.constant 0 : i32
    return %c0_i32, %c0_i32_0 : i32, i32
  }
  func.func @transform_6(%arg0: i32) -> (i32, i32) {
    %c0_i32 = arith.constant 0 : i32
    %c0_i32_0 = arith.constant 0 : i32
    return %arg0, %c0_i32 : i32, i32
  }
  func.func @transform_7(%arg0: i32) -> (i32, i32, i32) {
    %c0_i32 = arith.constant 0 : i32
    %c0_i32_0 = arith.constant 0 : i32
    %c0_i32_1 = arith.constant 0 : i32
    return %arg0, %c0_i32, %c0_i32_0 : i32, i32, i32
  }
  func.func @transform_8(%arg0: i32) -> (i32, i32, i32) {
    %c0_i32 = arith.constant 0 : i32
    %c0_i32_0 = arith.constant 0 : i32
    %c0_i32_1 = arith.constant 0 : i32
    return %arg0, %c0_i32, %c0_i32_0 : i32, i32, i32
  }
}

module attributes {stable_mosaic.version = 14 : i64} {
  func.func @_agg_body(%arg0: i32, %arg1: memref<200x128xf32, #tpu.memory_space<vmem>>, %arg2: memref<1x128xf32, #tpu.memory_space<vmem>>, %arg3: memref<1x128xf32, #tpu.memory_space<vmem>>, %arg4: memref<200x128xf32, #tpu.memory_space<vmem>>, %arg5: memref<1x1x128xf32, #tpu.memory_space<vmem>>, %arg6: memref<1x1x128xf32, #tpu.memory_space<vmem>>) attributes {dimension_semantics = [#tpu.dimension_semantics<arbitrary>], iteration_bounds = array<i64: 50>, scalar_prefetch = 0 : i64, scratch_operands = 0 : i64, tpu.core_type = #tpu.core_type<tc>, window_params = [{transform_indices = @transform_0, window_bounds = array<i64: 200, 128>}, {pipeline_mode = #tpu.pipeline_mode<synchronous>, transform_indices = @transform_1, window_bounds = array<i64: 1, 128>}, {pipeline_mode = #tpu.pipeline_mode<synchronous>, transform_indices = @transform_2, window_bounds = array<i64: 1, 128>}, {transform_indices = @transform_3, window_bounds = array<i64: 200, 128>}, {transform_indices = @transform_4, window_bounds = array<i64: 1, 1, 128>}, {transform_indices = @transform_5, window_bounds = array<i64: 1, 1, 128>}]} {
    %get3A = arith.constant 0 : index
    %get3A_0 = arith.constant 0 : index
    %get3A_1 = vector.load %arg1[%get3A, %get3A_0] : memref<200x128xf32, #tpu.memory_space<vmem>>, vector<200x128xf32>
    %get3A_2 = arith.constant 0 : index
    %get3A_3 = arith.constant 0 : index
    %get3A_4 = vector.load %arg2[%get3A_2, %get3A_3] : memref<1x128xf32, #tpu.memory_space<vmem>>, vector<1x128xf32>
    %mul3A = vector.broadcast %get3A_4 : vector<1x128xf32> to vector<200x128xf32>
    %mul3A_5 = arith.mulf %get3A_1, %mul3A : vector<200x128xf32>
    %get3A_6 = arith.constant 0 : index
    %get3A_7 = arith.constant 0 : index
    %get3A_8 = vector.load %arg3[%get3A_6, %get3A_7] : memref<1x128xf32, #tpu.memory_space<vmem>>, vector<1x128xf32>
    %add3A = vector.broadcast %get3A_8 : vector<1x128xf32> to vector<200x128xf32>
    %add3A_9 = arith.addf %mul3A_5, %add3A : vector<200x128xf32>
    %max3A = arith.constant 0.000000e+00 : f32
    %max3A_10 = vector.broadcast %max3A : f32 to vector<200x128xf32>
    %max3A_11 = arith.maximumf %add3A_9, %max3A_10 : vector<200x128xf32>
    %swap3A = arith.constant 0 : index
    %swap3A_12 = arith.constant 0 : index
    %swap3A_13 = vector.load %arg4[%swap3A, %swap3A_12] : memref<200x128xf32, #tpu.memory_space<vmem>>, vector<200x128xf32>
    tpu.vector_store %arg4[%swap3A, %swap3A_12], %max3A_11 {strides = array<i32>} : memref<200x128xf32, #tpu.memory_space<vmem>>, vector<200x128xf32>,
    %reduce_sum3A = arith.constant dense<0.000000e+00> : vector<128xf32>
    %reduce_sum3A_14 = vector.multi_reduction <add>, %max3A_11, %reduce_sum3A [0] : vector<200x128xf32> to vector<128xf32>
    %broadcast_in_dim3A = vector.shape_cast %reduce_sum3A_14 : vector<128xf32> to vector<1x128xf32>
    %swap3A_15 = arith.constant 0 : index
    %swap3A_16 = arith.constant 0 : index
    %swap3A_17 = arith.constant 0 : index
    %swap3A_18 = vector.load %arg5[%swap3A_15, %swap3A_16, %swap3A_17] : memref<1x1x128xf32, #tpu.memory_space<vmem>>, vector<1x1x128xf32>
    %swap3A_19 = vector.shape_cast %swap3A_18 : vector<1x1x128xf32> to vector<1x128xf32>
    %swap3A_20 = vector.shape_cast %broadcast_in_dim3A : vector<1x128xf32> to vector<1x1x128xf32>
    tpu.vector_store %arg5[%swap3A_15, %swap3A_16, %swap3A_17], %swap3A_20 {strides = array<i32>} : memref<1x1x128xf32, #tpu.memory_space<vmem>>, vector<1x1x128xf32>,
    %mul3A_21 = arith.mulf %max3A_11, %max3A_11 : vector<200x128xf32>
    %reduce_sum3A_22 = arith.constant dense<0.000000e+00> : vector<128xf32>
    %reduce_sum3A_23 = vector.multi_reduction <add>, %mul3A_21, %reduce_sum3A_22 [0] : vector<200x128xf32> to vector<128xf32>
    %broadcast_in_dim3A_24 = vector.shape_cast %reduce_sum3A_23 : vector<128xf32> to vector<1x128xf32>
    %swap3A_25 = arith.constant 0 : index
    %swap3A_26 = arith.constant 0 : index
    %swap3A_27 = arith.constant 0 : index
    %swap3A_28 = vector.load %arg6[%swap3A_25, %swap3A_26, %swap3A_27] : memref<1x1x128xf32, #tpu.memory_space<vmem>>, vector<1x1x128xf32>
    %swap3A_29 = vector.shape_cast %swap3A_28 : vector<1x1x128xf32> to vector<1x128xf32>
    %swap3A_30 = vector.shape_cast %broadcast_in_dim3A_24 : vector<1x128xf32> to vector<1x1x128xf32>
    tpu.vector_store %arg6[%swap3A_25, %swap3A_26, %swap3A_27], %swap3A_30 {strides = array<i32>} : memref<1x1x128xf32, #tpu.memory_space<vmem>>, vector<1x1x128xf32>,
    return
  }
  func.func @transform_0(%arg0: i32) -> (i32, i32) {
    %c0_i32 = arith.constant 0 : i32
    %c0_i32_0 = arith.constant 0 : i32
    return %arg0, %c0_i32 : i32, i32
  }
  func.func @transform_1(%arg0: i32) -> (i32, i32) {
    %c0_i32 = arith.constant 0 : i32
    %c0_i32_0 = arith.constant 0 : i32
    %c0_i32_1 = arith.constant 0 : i32
    return %c0_i32, %c0_i32_0 : i32, i32
  }
  func.func @transform_2(%arg0: i32) -> (i32, i32) {
    %c0_i32 = arith.constant 0 : i32
    %c0_i32_0 = arith.constant 0 : i32
    %c0_i32_1 = arith.constant 0 : i32
    return %c0_i32, %c0_i32_0 : i32, i32
  }
  func.func @transform_3(%arg0: i32) -> (i32, i32) {
    %c0_i32 = arith.constant 0 : i32
    %c0_i32_0 = arith.constant 0 : i32
    return %arg0, %c0_i32 : i32, i32
  }
  func.func @transform_4(%arg0: i32) -> (i32, i32, i32) {
    %c0_i32 = arith.constant 0 : i32
    %c0_i32_0 = arith.constant 0 : i32
    %c0_i32_1 = arith.constant 0 : i32
    return %arg0, %c0_i32, %c0_i32_0 : i32, i32, i32
  }
  func.func @transform_5(%arg0: i32) -> (i32, i32, i32) {
    %c0_i32 = arith.constant 0 : i32
    %c0_i32_0 = arith.constant 0 : i32
    %c0_i32_1 = arith.constant 0 : i32
    return %arg0, %c0_i32, %c0_i32_0 : i32, i32, i32
  }
}

module attributes {stable_mosaic.version = 14 : i64} {
  func.func @_final_body(%arg0: i32, %arg1: memref<200x128xf32, #tpu.memory_space<vmem>>, %arg2: memref<200x128xf32, #tpu.memory_space<vmem>>, %arg3: memref<1x128xf32, #tpu.memory_space<vmem>>, %arg4: memref<1x128xf32, #tpu.memory_space<vmem>>, %arg5: memref<200x128xf32, #tpu.memory_space<vmem>>) attributes {dimension_semantics = [#tpu.dimension_semantics<arbitrary>], iteration_bounds = array<i64: 50>, scalar_prefetch = 0 : i64, scratch_operands = 0 : i64, tpu.core_type = #tpu.core_type<tc>, window_params = [{transform_indices = @transform_0, window_bounds = array<i64: 200, 128>}, {transform_indices = @transform_1, window_bounds = array<i64: 200, 128>}, {pipeline_mode = #tpu.pipeline_mode<synchronous>, transform_indices = @transform_2, window_bounds = array<i64: 1, 128>}, {pipeline_mode = #tpu.pipeline_mode<synchronous>, transform_indices = @transform_3, window_bounds = array<i64: 1, 128>}, {transform_indices = @transform_4, window_bounds = array<i64: 200, 128>}]} {
    %get3A = arith.constant 0 : index
    %get3A_0 = arith.constant 0 : index
    %get3A_1 = vector.load %arg1[%get3A, %get3A_0] : memref<200x128xf32, #tpu.memory_space<vmem>>, vector<200x128xf32>
    %get3A_2 = arith.constant 0 : index
    %get3A_3 = arith.constant 0 : index
    %get3A_4 = vector.load %arg3[%get3A_2, %get3A_3] : memref<1x128xf32, #tpu.memory_space<vmem>>, vector<1x128xf32>
    %mul3A = vector.broadcast %get3A_4 : vector<1x128xf32> to vector<200x128xf32>
    %mul3A_5 = arith.mulf %get3A_1, %mul3A : vector<200x128xf32>
    %get3A_6 = arith.constant 0 : index
    %get3A_7 = arith.constant 0 : index
    %get3A_8 = vector.load %arg4[%get3A_6, %get3A_7] : memref<1x128xf32, #tpu.memory_space<vmem>>, vector<1x128xf32>
    %add3A = vector.broadcast %get3A_8 : vector<1x128xf32> to vector<200x128xf32>
    %add3A_9 = arith.addf %mul3A_5, %add3A : vector<200x128xf32>
    %get3A_10 = arith.constant 0 : index
    %get3A_11 = arith.constant 0 : index
    %get3A_12 = vector.load %arg2[%get3A_10, %get3A_11] : memref<200x128xf32, #tpu.memory_space<vmem>>, vector<200x128xf32>
    %add3A_13 = arith.addf %add3A_9, %get3A_12 : vector<200x128xf32>
    %max3A = arith.constant 0.000000e+00 : f32
    %max3A_14 = vector.broadcast %max3A : f32 to vector<200x128xf32>
    %max3A_15 = arith.maximumf %add3A_13, %max3A_14 : vector<200x128xf32>
    %swap3A = arith.constant 0 : index
    %swap3A_16 = arith.constant 0 : index
    %swap3A_17 = vector.load %arg5[%swap3A, %swap3A_16] : memref<200x128xf32, #tpu.memory_space<vmem>>, vector<200x128xf32>
    tpu.vector_store %arg5[%swap3A, %swap3A_16], %max3A_15 {strides = array<i32>} : memref<200x128xf32, #tpu.memory_space<vmem>>, vector<200x128xf32>,
    return
  }
  func.func @transform_0(%arg0: i32) -> (i32, i32) {
    %c0_i32 = arith.constant 0 : i32
    %c0_i32_0 = arith.constant 0 : i32
    return %arg0, %c0_i32 : i32, i32
  }
  func.func @transform_1(%arg0: i32) -> (i32, i32) {
    %c0_i32 = arith.constant 0 : i32
    %c0_i32_0 = arith.constant 0 : i32
    return %arg0, %c0_i32 : i32, i32
  }
  func.func @transform_2(%arg0: i32) -> (i32, i32) {
    %c0_i32 = arith.constant 0 : i32
    %c0_i32_0 = arith.constant 0 : i32
    %c0_i32_1 = arith.constant 0 : i32
    return %c0_i32, %c0_i32_0 : i32, i32
  }
  func.func @transform_3(%arg0: i32) -> (i32, i32) {
    %c0_i32 = arith.constant 0 : i32
    %c0_i32_0 = arith.constant 0 : i32
    %c0_i32_1 = arith.constant 0 : i32
    return %c0_i32, %c0_i32_0 : i32, i32
  }
  func.func @transform_4(%arg0: i32) -> (i32, i32) {
    %c0_i32 = arith.constant 0 : i32
    %c0_i32_0 = arith.constant 0 : i32
    return %arg0, %c0_i32 : i32, i32
  }
}

</mosaic_0001>

<sc_bundles>
// kernel: kernel.9.cloned.1.call-start
scs
__scs_entry_jumppad:
0x0: {  	(pc) =	sbr.rel $0x88, $3  }
0x1: {  	(tag) =	ssettag $0x0;
	lr =	simm.s32 $0x1  }
0x2: {  	[smem:$0x3F94] =	sst lr;
	_ =	strace $0xD0000000  }
0x3: {  	_ = 	snop  }
0x4: {  	_ = 	snop  }
0x5: {  	_ = 	snop  }
0x6: {  	_ = 	snop  }
0x7: {  	_ = 	snop  }
__scs_overlays_trampoline_lowered:
0x8: {  	[smem:$0x3FA3] =	sst s0  }
0x9: {  	[smem:$0x3FA4] =	sst s1  }
0xa: {  	[smem:$0x3FA5] =	sst s2  }
0xb: {  	[smem:$0x3FA6] =	sst s3  }
0xc: {  	[smem:$0x3FA7] =	sst s4  }
0xd: {  	[smem:$0x3FA8] =	sst s5  }
0xe: {  	[smem:$0x3FA9] =	sst s6  }
0xf: {  	[smem:$0x3FAA] =	sst s7  }
0x10: {  	[smem:$0x3FAB] =	sst s8  }
0x11: {  	[smem:$0x3FAC] =	sst s9;
	s0 =	simm.s32 @!p0 $0x0  }
0x12: {  	s1 =	sld [smem:$0x3F92];
	s0 =	simm.s32 @p0 $0x1  }
0x13: {  	[smem:$0x3FAD] =	sst s0;
	s0 =	simm.s32 @!p1 $0x0  }
0x14: {  	s2 =	sld [smem:$0x3F91];
	s0 =	simm.s32 @p1 $0x1  }
0x15: {  	[smem:$0x3FAE] =	sst s0;
	s0 =	simm.s32 @!p2 $0x0  }
0x16: {  	s3 =	sld [smem:$0x3FDB];
	s0 =	simm.s32 @p2 $0x1  }
0x17: {  	s4 =	simm.s32 $0x1BF5;
	[smem:$0x3FB0] =	sst s0  }
0x18: {  	s0 =	sld [smem:$0x3F93];
	_ =	swait.ge [sflag:s4], $0x0  }
0x19: {  	s7 =	sld [smem:$0x3F94]  }
0x1a: {  	s8 =	sadd.s32 $0xFFFFE003, lr  }
0x1b: {  	s9 =	sadd.s32 $0xFFFFFEF7, lr;
	s5 =	simm.s32 $0xFFFFFFFF;
	p2 =	slt.u32 s8, $0xFFFFF086  }
0x1c: {  	p1 =	slt.u32 s9, $0xF7A;
	s5 =	simm.s32 @!p2 $0x0  }
0x1d: {  	s5 =	simm.s32 @p1 $0x1;
	p0 =	seq.s32 s7, s2  }
0x1e: {  	s7 =	smul.u32 @!p0 $0xF7A, s2;
	p2 =	seq.s32 @!p0 s5, $0x0  }
0x1f: {  	s9 =	smul.u32 $0xF7A, s1;
	s8 =	simm.s32 @!p0 $0x1BF5;
	p2 =	por !p2, p0  }
0x20: {  	[sflag:s8] =	ssyncset.s32 @!p0 $0xFFFFF086;
	s6 =	sadd.s32 @!p0 s3, s7;
	s7 =	simm.s32 @!p0 $0x108  }
0x21: {  	s3 =	sadd.s32 s3, s9;
	s6 =	sadd.s32 @!p0 $0x88, s6;
	s7 =	simm.s32 @p2 $0x1082  }
0x22: {  	[simem:s7], [sflag:s8] =	dma.local @!p0 [hbm:s6], $0xF7A  }
0x23: {  	s9 =	sor.u32 $0xD0000000, s2;
	s6 =	simm.s32 $0x108;
	_ =	swait.ge @!p0 [sflag:s8], $0x0  }
0x24: {  	s3 =	sadd.s32 $0x88, s3;
	s6 =	simm.s32 @!p1 $0x1082;
	[sflag:s4] =	ssyncset.s32 $0xFFFFF086  }
0x25: {  	[simem:s6], [sflag:s4] =	dma.local [hbm:s3], $0xF7A  }
0x26: {  	[smem:$0x3F94] =	sst s1;
	(tag) =	ssettag s2;
	_ =	strace s9  }
0x27: {  	s1 =	sld [smem:$0x3FA4]  }
0x28: {  	s2 =	sld [smem:$0x3FA5]  }
0x29: {  	s4 =	sld [smem:$0x3FA7]  }
0x2a: {  	p0 =	seq.s32 s5, $0x0;
	s5 =	sld [smem:$0x3FA8]  }
0x2b: {  	s6 =	sld [smem:$0x3FA9]  }
0x2c: {  	s7 =	sld [smem:$0x3FAA]  }
0x2d: {  	s3 =	simm.s32 $0x108;
	s8 =	sld [smem:$0x3FAB]  }
0x2e: {  	s3 =	simm.s32 @!p0 $0x1082;
	s9 =	sld [smem:$0x3FAC]  }
0x2f: {  	lr =	sadd.s32 s0, s3;
	s0 =	sld [smem:$0x3FA3]  }
0x30: {  	s3 =	sld [smem:$0x3FA6]  }
0x31: {  	[smem:$0x3FAF] =	sst s10  }
0x32: {  	s10 =	sld [smem:$0x3FAD];
	_ =	sdelay $0x3  }
0x33: {  	p0 =	seq.s32 s10, $0x1;
	s10 =	sld [smem:$0x3FAF];
	_ =	sdelay $0x3  }
0x34: {  	[smem:$0x3FAF] =	sst s10  }
0x35: {  	s10 =	sld [smem:$0x3FAE];
	_ =	sdelay $0x3  }
0x36: {  	p1 =	seq.s32 s10, $0x1;
	s10 =	sld [smem:$0x3FAF];
	_ =	sdelay $0x3  }
0x37: {  	[smem:$0x3FAF] =	sst s10  }
0x38: {  	s10 =	sld [smem:$0x3FB0]  }
0x39: {  	_ = 	snop;
	(pc) =	sbr.ind lr, $3  }
0x3a: {  	_ = 	snop  }
0x3b: {  	_ = 	snop  }
0x3c: {  	p2 =	seq.s32 s10, $0x1;
	s10 =	sld [smem:$0x3FAF]  }
0x3d: {  	_ =	shalt  }
0x3e: {  	_ =	shalt  }
0x3f: {  	_ =	shalt  }
0x40: {  	_ =	shalt  }
0x41: {  	_ =	shalt  }
0x42: {  	_ =	shalt  }
0x43: {  	_ =	shalt  }
0x44: {  	_ =	shalt  }
0x45: {  	_ =	shalt  }
0x46: {  	_ =	shalt  }
0x47: {  	_ =	shalt  }
0x48: {  	_ =	shalt  }
0x49: {  	_ =	shalt  }
0x4a: {  	_ =	shalt  }
0x4b: {  	_ =	shalt  }
0x4c: {  	_ =	shalt  }
0x4d: {  	_ =	shalt  }
0x4e: {  	_ =	shalt  }
0x4f: {  	_ =	shalt  }
0x50: {  	_ =	shalt  }
0x51: {  	_ =	shalt  }
0x52: {  	_ =	shalt  }
0x53: {  	_ =	shalt  }
0x54: {  	_ =	shalt  }
0x55: {  	_ =	shalt  }
0x56: {  	_ =	shalt  }
0x57: {  	_ =	shalt  }
0x58: {  	_ =	shalt  }
0x59: {  	_ =	shalt  }
0x5a: {  	_ =	shalt  }
0x5b: {  	_ =	shalt  }
0x5c: {  	_ =	shalt  }
0x5d: {  	_ =	shalt  }
0x5e: {  	_ =	shalt  }
0x5f: {  	_ =	shalt  }
0x60: {  	_ =	shalt  }
0x61: {  	_ =	shalt  }
0x62: {  	_ =	shalt  }
0x63: {  	_ =	shalt  }
0x64: {  	_ =	shalt  }
0x65: {  	_ =	shalt  }
0x66: {  	_ =	shalt  }
0x67: {  	_ =	shalt  }
0x68: {  	_ =	shalt  }
0x69: {  	_ =	shalt  }
0x6a: {  	_ =	shalt  }
0x6b: {  	_ =	shalt  }
0x6c: {  	_ =	shalt  }
0x6d: {  	_ =	shalt  }
0x6e: {  	_ =	shalt  }
0x6f: {  	_ =	shalt  }
0x70: {  	_ =	shalt  }
0x71: {  	_ =	shalt  }
0x72: {  	_ =	shalt  }
0x73: {  	_ =	shalt  }
0x74: {  	_ =	shalt  }
0x75: {  	_ =	shalt  }
0x76: {  	_ =	shalt  }
0x77: {  	_ =	shalt  }
0x78: {  	_ =	shalt  }
0x79: {  	_ =	shalt  }
0x7a: {  	_ =	shalt  }
0x7b: {  	_ =	shalt  }
0x7c: {  	_ =	shalt  }
0x7d: {  	_ =	shalt  }
0x7e: {  	_ =	shalt  }
0x7f: {  	_ =	shalt  }
0x80: {  	_ =	shalt  }
0x81: {  	_ =	shalt  }
0x82: {  	_ =	shalt  }
0x83: {  	_ =	shalt  }
0x84: {  	_ =	shalt  }
0x85: {  	_ =	shalt  }
0x86: {  	_ =	shalt  }
0x87: {  	_ =	shalt  }
.Lfunc_end0:
.L_simem_size_0:
called_computation_lowered:
.L_overlay_start_0:
0x88: {  	s2 =	sld [smem:$0x3FD9]  }
0x89: {  	s3 =	sld [smem:$0x3FFE];
	_ =	sdelay $0x1  }
0x8a: {  	s1 =	srdreg.scid  }
0x8b: {  	s0 =	sand.u32 $0x1, s1  }
0x8c: {  	s17 =	sshll.u32 s0, $0xA;
	s2 =	sadd.s32 s3, s2  }
0x8d: {  	s2 =	sadd.s32 s2, s17  }
0x8e: {  	[smem:$0x3FBB] =	sst s2  }
0x8f: {  	_ = 	snop  }
0x90: {  	s2 =	sld [smem:$0x3FD0];
	(tm) =	ssettm $0x1  }
0x91: {  	s18 =	sld [smem:$0x3FFB];
	_ =	sdelay $0x3  }
0x92: {  	_ =	strace s18  }
0x93: {  	s3 =	sld [smem:$0x3FFC];
	_ =	sdelay $0x3  }
0x94: {  	_ =	strace s3  }
0x95: {  	s3 =	sld [smem:$0x3FFD];
	_ =	sdelay $0x3  }
0x96: {  	_ =	strace s3  }
0x97: {  	_ =	strace $0x8FFFFFFF  }
0x98: {  	s19 =	sld [smem:$0x3FDB];
	_ =	sdelay $0x1  }
0x99: {  	s4 =	simm.s32 $_scs_section_size  }
0x9a: {  	s5 =	simm.s32 $_size__tile_overlayer_lowered;
	s6 =	simm.s32 $_tile_overlayer_lowered  }
0x9b: {  	s22 =	simm.s32 $0x1BFF;
	s21 =	sshll.u32 s6, $0x1;
	s3 =	sadd.s32 s4, s19  }
0x9c: {  	s7 =	simm.s32 $0x0;
	s20 =	sshll.u32 s5, $0x1;
	s5 =	sadd.s32 s21, s3  }
0x9d: {  	[timem:s7], [sflag:s22] =	dma.local [hbm:s5], s20  }
0x9e: {  	_ =	swait.ge [sflag:s22], s20  }
0x9f: {  	s4 =	ssub.s32 $0x0, s20;
	[sflag:s22] =	ssyncset.done $0x0  }
0xa0: {  	[sflag:s22] =	ssyncadd.s32 s4;
	_ =	sdelay $0x1  }
0xa1: {  	s23 =	simm.s32 $0x1B8B  }
0xa2: {  	_ =	swait.ge [sflag:s23], $0x1  }
0xa3: {  	[sflag:s23] =	ssyncset.done $0x0  }
0xa4: {  	s25 =	simm.s32 $0x1B8E;
	s24 =	sld [smem:$0x3FFE];
	[sflag:s23] =	ssyncadd.s32 $0xFFFFFFFF  }
0xa5: {  	s26 =	simm.s32 $execute0_lowered;
	[smem:$0x3FD2] =	sst s25  }
0xa6: {  	s5 =	sshll.u32 s26, $0x1;
	_ =	strace $0x80000046;
	[dreg:$0x1] =	wrdreg $0xFFFFFFFF  }
0xa7: {  	s28 =	simm.s32 $_size_execute0_lowered;
	s3 =	sadd.s32 s3, s5;
	[dreg:$0x0] =	wrdreg $0x0  }
0xa8: {  	s5 =	sshll.u32 s28, $0x1;
	[dreg:$0x2] =	wrdreg s3  }
0xa9: {  	[dreg:$0x3] =	wrdreg s5  }
0xaa: {  	[dreg:$0x4] =	wrdreg $0xC0  }
0xab: {  	_ =	task [dreg:s7], $0x5FFFF  }
0xac: {  	[dreg:$0x1] =	wrdreg $0xFFFFFFFF  }
0xad: {  	[dreg:$0x0] =	wrdreg $0x60  }
0xae: {  	[dreg:$0x2] =	wrdreg s2  }
0xaf: {  	[dreg:$0x3] =	wrdreg s24  }
0xb0: {  	[dreg:$0x4] =	wrdreg $0x9  }
0xb1: {  	_ =	task.clear_ibuf [dreg:s7], $0x5FFFF;
	_ =	strace $0x90000046  }
0xb2: {  	s29 =	simm.s32 $0x9;
	_ =	strace $0x80000048  }
0xb3: {  	_ =	swait.ge [sflag:s29], $0x1  }
0xb4: {  	[sflag:s29] =	ssyncadd.s32 $0xFFFFFFFF  }
0xb5: {  	_ =	strace $0x90000048  }
0xb6: {  	_ =	sfence  }
0xb7: {  	s30 =	sld [smem:$0x0];
	_ =	sdelay $0x2  }
0xb8: {  	s31 =	sshll.u32 s1, $0xD;
	s1 =	sshrl.u32 s1, $0x2  }
0xb9: {  	s3 =	sand.u32 $0x4000, s31;
	s1 =	sadd.s32 s1, s30  }
0xba: {  	s0 =	sor.u32 s3, s0;
	s1 =	sshll.u32 s1, $0x11  }
0xbb: {  	s0 =	sor.u32 s1, s0  }
0xbc: {  	s0 =	sadd.s32 $0x8F2B, s0  }
0xbd: {  	[sflag:s0] =	ssyncadd.remote.s32 $0x1  }
0xbe: {  	_ =	sfence.sel $0xFFFF  }
0xbf: {  	[dreg:$0x0] =	wrdreg $0xFFFFFFFF;
	(pc) =	sbr.abs _section_cstart, $3  }
0xc0: {  	[dreg:$0x1] =	wrdreg $0xFFFFFFFF  }
0xc1: {  	_ =	task.clear_ibuf [dreg:s7], $0x2FFFF;
	_ =	strace $0x9FFFFFFF  }
0xc2: {  	(tm) =	ssettm $0x7FFFFFFF  }
0xc3: {  	_ =	shalt  }
tec
execute0_lowered:
.L_overlay_start_1:
0x0: {  	(tag) =	ssettag $0x1  }
0x1: {  	s1 =	rddreg [dreg:$0x0]  }
0x2: {  	s5 =	rddreg [dreg:$0x1]  }
0x3: {  	s0 =	rddreg [dreg:$0x2]  }
0x4: {  	s3 =	simm.s32 $0x0;
	s4 =	srdreg.scid;
	s2 =	stileid.u32  }
0x5: {  	s11 =	simm.s32 $0x1;
	s12 =	simm.s32 $0x0;
	[smem:$0x7FF] =	sst s3  }
0x6: {  	s7 =	sand.u32 $0x1, s4;
	s4 =	sadd.s32 $0xE00, s5;
	s8 =	sshll.u32 s2, $0x1  }
0x7: {  	s9 =	sshll.u32 s2, $0xC;
	s30 =	sshll.u32 s2, $0x8;
	_ =	strace $0x80000047  }
0x8: {  	s6 =	ssub.s32 $0x2, s7;
	s8 =	sor.u32 s8, s7;
	s9 =	sadd.s32 s9, s5  }
0x9: {  	s29 =	sshll.u32 s7, $0xB;
	s31 =	sshll.u32 s7, $0x7;
	s10 =	sshrl.u32 s6, $0x1  }
0xa: {  	s28 =	ssub.s32 $0x501, s8;
	s8 =	sadd.s32 s29, s9;
	s9 =	simm.s32 $0x2  }
0xb: {  	s26 =	ssub.s32 s6, s10;
	s6 =	sshrl.u32 s28, $0x5;
	s7 =	sadd.s32 $0x5E00, s8  }
0xc: {  	s8 =	sor.u32 s31, s30;
	s10 =	simm.s32 $0x80;
	s5 =	smax.u32 s26, $0x1  }
.LBB2_1:
0xd: {  	p1 =	sne.s32 s6, $0x1  }
.Ltmp0:
0xe: {  	_ = 	snop;
	(pc) =	sbr.rel @!p1 .LBB2_2-.Ltmp0, $2  }
0xf: {  	_ =	sdelay $0x2  }
0x10: {  	s13 =	sadd.s32 $0xFFFFFFFF, s6;
	s16 =	sshrl.u32 s8, $0x3;
	p0 =	por $0x0, $0x0  }
0x11: {  	s14 =	sadd.s32 s4, s16  }
0x12: {  	[tilespmem:s3], [sflag:$0x2] =	stream.linear.gather [hbm4b:s14+s3], $0x80, $0x38;
	[tilespmem:$0x4080] =	vst v63  }
0x13: {  	_ =	swait.ge [sflag:s9], $0x80  }
0x14: {  	[sflag:s9] =	ssyncset.done $0x0  }
0x15: {  	[sflag:s9] =	ssyncadd.s32 $0xFFFFFF80  }
0x16: {  	[tilespmem:s10], [sflag:$0x1] =	stream.indirect.gather [hbm4b:s1+s10], $0x80, s3, s10, $0xb8;
	[tilespmem:$0x4080] =	vst v63  }
0x17: {  	p1 =	sne.s32 s13, $0x1;
	_ =	swait.ge [sflag:s11], $0x4000  }
.Ltmp1:
0x18: {  	[sflag:s11] =	ssyncset.done $0x0;
	(pc) =	sbr.rel @!p1 .LBB2_4-.Ltmp1, $4  }
0x19: {  	s15 =	sadd.s32 $0x1000, s8;
	[sflag:s11] =	ssyncadd.s32 $0xFFFFC000  }
0x1a: {  	[hbm4b:s7+s3] =	stream.linear.scatter [tilespmem:s10], [sflag:$0x2], $0x4000, $0x38;
	[tilespmem:$0x4080] =	vst v63  }
0x1b: {  	p0 =	por $0x1, $0x1;
	s14 =	sadd.s32 $0xFFFFFFFF, s13;
	_ =	swait.ge [sflag:s9], $0x4000  }
0x1c: {  	s16 =	sshrl.u32 s15, $0x3;
	s13 =	smov.u32 s7;
	[sflag:s9] =	ssyncset.done $0x0  }
.LBB2_5:
0x1d: {  	s16 =	sadd.s32 s4, s16;
	[sflag:s9] =	ssyncadd.s32 $0xFFFFC000;
	s13 =	sadd.s32 $0x10000, s13  }
0x1e: {  	[tilespmem:s3], [sflag:$0x2] =	stream.linear.gather [hbm4b:s16+s3], $0x80, $0x38;
	[tilespmem:$0x4080] =	vst v63  }
0x1f: {  	p1 =	sne.s32 s14, $0x1;
	s14 =	sadd.s32 $0xFFFFFFFF, s14;
	_ =	swait.ge [sflag:s9], $0x80  }
0x20: {  	[sflag:s9] =	ssyncset.done $0x0  }
0x21: {  	[sflag:s9] =	ssyncadd.s32 $0xFFFFFF80  }
0x22: {  	[tilespmem:s10], [sflag:$0x1] =	stream.indirect.gather [hbm4b:s1+s10], $0x80, s3, s10, $0xb8;
	[tilespmem:$0x4080] =	vst v63  }
0x23: {  	_ =	swait.ge [sflag:s11], $0x4000  }
.Ltmp2:
0x24: {  	[sflag:s11] =	ssyncset.done $0x0;
	(pc) =	sbr.rel @p1 .LBB2_5-.Ltmp2, $4  }
0x25: {  	[sflag:s11] =	ssyncadd.s32 $0xFFFFC000  }
0x26: {  	[hbm4b:s13+s3] =	stream.linear.scatter [tilespmem:s10], [sflag:$0x2], $0x4000, $0x38;
	[tilespmem:$0x4080] =	vst v63  }
0x27: {  	s15 =	sadd.s32 $0x1000, s15;
	_ =	swait.ge [sflag:s9], $0x4000  }
0x28: {  	s16 =	sshrl.u32 s15, $0x3;
	[sflag:s9] =	ssyncset.done $0x0  }
.LBB2_6:
0x29: {  	s14 =	sadd.s32 s4, s16;
	[sflag:s9] =	ssyncadd.s32 @p0 $0xFFFFC000  }
0x2a: {  	[tilespmem:s3], [sflag:$0x2] =	stream.linear.gather [hbm4b:s14+s3], $0x80, $0x38;
	[tilespmem:$0x4080] =	vst v63  }
0x2b: {  	_ =	swait.ge [sflag:s9], $0x80  }
0x2c: {  	[sflag:s9] =	ssyncset.done $0x0  }
0x2d: {  	[sflag:s9] =	ssyncadd.s32 $0xFFFFFF80  }
0x2e: {  	[tilespmem:s10], [sflag:$0x1] =	stream.indirect.gather [hbm4b:s1+s10], $0x80, s3, s10, $0xb8;
	[tilespmem:$0x4080] =	vst v63  }
0x2f: {  	s13 =	sadd.s32 @p0 $0x10000, s13;
	_ =	swait.ge [sflag:s11], $0x4000  }
0x30: {  	s12 =	sadd.s32 $0x1, s12;
	s14 =	smov.u32 s7;
	[sflag:s11] =	ssyncset.done $0x0  }
0x31: {  	s14 =	smov.u32 @p0 s13;
	p0 =	sne.s32 s12, s5;
	[sflag:s11] =	ssyncadd.s32 $0xFFFFC000  }
0x32: {  	[hbm4b:s14+s3] =	stream.linear.scatter [tilespmem:s10], [sflag:$0x2], $0x4000, $0x38;
	[tilespmem:$0x4080] =	vst v63  }
.Ltmp3:
0x33: {  	_ = 	snop;
	(pc) =	sbr.rel @p0 .LBB2_1-.Ltmp3, $4  }
.Ltmp4:
0x34: {  	_ = 	snop;
	(pc) =	sbr.rel @!p0 .LBB2_7-.Ltmp4, $4  }
0x35: {  	_ =	swait.ge [sflag:s9], $0x4000  }
0x36: {  	[sflag:s9] =	ssyncset.done $0x0  }
0x37: {  	[sflag:s9] =	ssyncadd.s32 $0xFFFFC000  }
0x38: {  	_ = 	snop  }
.LBB2_2:
.Ltmp5:
0x39: {  	(pc) =	sbr.rel .LBB2_6-.Ltmp5, $2  }
0x3a: {  	_ =	sdelay $0x2  }
0x3b: {  	s13 =	smov.u32 s7  }
.LBB2_4:
.Ltmp6:
0x3c: {  	(pc) =	sbr.rel .LBB2_6-.Ltmp6, $2  }
0x3d: {  	_ =	sdelay $0x2  }
0x3e: {  	s13 =	smov.u32 s7  }
.LBB2_7:
0x3f: {  	_ =	sfence.sel $0x180000  }
0x40: {  	[bflag:$0x0] =	sbarrier.arrive $0xFFFF  }
0x41: {  	p0 =	sne.s32 s2, $0x0;
	_ =	strace $0x90000047  }
0x42: {  	s0 =	sadd.s32 @!p0 $0x100000, s0;
	[bflag:$0x2] =	sbarrier.arrive $0xFFFF  }
0x43: {  	[sflag:s0] =	ssyncadd.tile.s32 @!p0 $0x1;
	_ =	shalt  }
.Lfunc_end2:
_tile_overlayer_lowered:
.L_overlay_start_2:
0x44: {  	(tag) =	ssettag $0x2  }
0x45: {  	s0 =	rddreg [dreg:$0x0];
	s2 =	stileid.u32  }
0x46: {  	s1 =	rddreg [dreg:$0x1];
	p0 =	sne.s32 s2, $0x0  }
0x47: {  	s3 =	rddreg [dreg:$0x2];
	[bflag:$0x3] =	sbarrier.arrive $0xFFFF;
	s2 =	simm.s32 @!p0 $0x1C02  }
0x48: {  	[timem:s3], [sflag:s2] =	dma.local @!p0 [hbm:s0], s1  }
0x49: {  	s0 =	simm.s32 @!p0 $0x2  }
0x4a: {  	_ =	swait.ge @!p0 [sflag:s0], s1  }
0x4b: {  	s1 =	ssub.s32 @!p0 $0x0, s1;
	[sflag:s0] =	ssyncset.done @!p0 $0x0  }
0x4c: {  	[sflag:s0] =	ssyncadd.s32 @!p0 s1  }
0x4d: {  	[bflag:$0x3] =	sbarrier.arrive $0xFFFF  }
0x4e: {  	_ =	shalt  }

</sc_bundles>
